<compile_context>
chip_gen: v7x
topology: tpu7x:2x2x1
jax: 0.10.2.dev20260603
libtpu: 0.0.44.dev20260713+nightly
codegen_flags: <defaults>
</compile_context>

<pallas_src>
import math

import jax
import jax.numpy as jnp
from jax.experimental import pallas as pl
from jax.experimental.pallas import tpu as pltpu
from jax.experimental.pallas import tpu_sc as plsc

_BS = 8
_NCROPS = 10
_T = 32
_F = 2048
_D = 512
_KNEAR = 3
_KABN = 3
_KTOP = 4
_NSAMP = 16


def _step_kernel(x_ref, wq_ref, wk_ref, wv_ref, wo_ref, w1_ref, b1_ref,
                 w2_ref, b2_ref, w3_ref, b3_ref,
                 topk_ref, feat_ref, scores_ref, selsc_ref, dist_out_ref,
                 idxe_ref, dist_scr, idx_scr):
    i = pl.program_id(0)
    phase_a = i < _BS

    bf = jnp.bfloat16
    f32 = jnp.float32
    dot = lambda a, b: jnp.dot(a.astype(bf), b, preferred_element_type=f32)

    x = x_ref[0].reshape(_NCROPS * _T, _F)
    xb = x.astype(bf)
    q = jnp.dot(xb, wq_ref[...], preferred_element_type=f32)
    k = jnp.dot(xb, wk_ref[...], preferred_element_type=f32)
    v = jnp.dot(xb, wv_ref[...], preferred_element_type=f32)
    scale = 1.0 / math.sqrt(float(_D))
    outs = []
    for c in range(_NCROPS):
        qc = q[c * _T:(c + 1) * _T]
        kc = k[c * _T:(c + 1) * _T]
        vc = v[c * _T:(c + 1) * _T]
        logits = dot(qc, kc.astype(bf).T) * scale
        p = jax.nn.softmax(logits, axis=-1)
        outs.append(dot(p, vc.astype(bf)))
    o = jnp.concatenate(outs, axis=0)
    feats = jax.nn.relu(dot(o, wo_ref[...]) + x)

    s = jax.nn.relu(dot(feats, w1_ref[...]) + b1_ref[...])
    s = jax.nn.relu(dot(s, w2_ref[...]) + b2_ref[...])
    sb = s.astype(bf).astype(f32)
    w3b = w3_ref[...].astype(bf).astype(f32)
    logit = jnp.sum(sb * w3b, axis=1, keepdims=True) + b3_ref[...]
    sc = jax.nn.sigmoid(logit).reshape(_NCROPS, _T)
    scores_mean = jnp.mean(sc, axis=0)
    scores_ref[0, 0, :] = scores_mean

    mag = jnp.sqrt(jnp.sum(feats * feats, axis=1) + 1e-12).reshape(_NCROPS, _T)
    temp = jnp.where(phase_a, 6.0, 5.0)
    w = jax.nn.softmax(mag / temp, axis=1)
    dist3 = feats.reshape(_NCROPS, _T, _F) * w[:, :, None] * float(_T)
    dist_scr[...] = dist3

    cur = dist3.reshape(_NCROPS * _T, _F)
    neg = jnp.full((_NCROPS * _T, 128), -jnp.inf, jnp.float32)
    s0 = cur[:, :128]
    s1 = neg
    s2 = neg
    s3 = neg
    for j in range(1, _F // 128):
        c = cur[:, j * 128:(j + 1) * 128]
        t0 = jnp.maximum(s0, c)
        c = jnp.minimum(s0, c)
        s0 = t0
        t1 = jnp.maximum(s1, c)
        c = jnp.minimum(s1, c)
        s1 = t1
        t2 = jnp.maximum(s2, c)
        c = jnp.minimum(s2, c)
        s2 = t2
        s3 = jnp.maximum(s3, c)
    cand = jnp.concatenate([s0, s1, s2, s3], axis=1)
    lane = jax.lax.broadcasted_iota(jnp.int32, cand.shape, 1)
    vals = []
    for j in range(_KTOP):
        m = jnp.max(cand, axis=1, keepdims=True)
        vals.append(m)
        if j < _KTOP - 1:
            first = jnp.min(jnp.where(cand == m, lane, _F), axis=1,
                            keepdims=True)
            cand = jnp.where(lane == first, -jnp.inf, cand)
    topk_ref[0] = jnp.concatenate(vals, axis=1).reshape(_NCROPS, _T, _KTOP)

    @pl.when(phase_a)
    def _():
        feat2 = jnp.mean(feats.reshape(_NCROPS, _T, _F), axis=0)
        ad = jnp.abs(feat2[_KNEAR:, :] - feat2[:_T - _KNEAR, :])
        diff = jnp.mean(ad, axis=1).reshape(1, _T - _KNEAR)
        lane29 = jax.lax.broadcasted_iota(jnp.int32, (1, _T - _KNEAR), 1)
        c2 = diff
        for j in range(_KABN):
            m = jnp.max(c2)
            first = jnp.min(jnp.where(c2 == m, lane29, _T))
            idx_scr[i, j] = first + _KNEAR
            c2 = jnp.where(lane29 == first, -jnp.inf, c2)

    @pl.when(phase_a)
    def _():
        dist_out_ref[0] = dist3
        l = jax.lax.broadcasted_iota(jnp.int32, (1, _T), 1)
        j0 = idx_scr[i, 0]
        j1 = idx_scr[i, 1]
        j2 = idx_scr[i, 2]
        kk3 = l % _KABN
        jsel = jnp.where(kk3 == 0, j0, jnp.where(kk3 == 1, j1, j2))
        val = i * (_NCROPS * _T) + (l // _KABN) * _T + jsel
        idxe_ref[0] = jnp.where(l < _NCROPS * _KABN, val, 0)

    row = jnp.where(phase_a, i, i - _BS)
    lane32 = jax.lax.broadcasted_iota(jnp.int32, (1, _T), 1)
    sm = scores_mean.reshape(1, _T)
    acc = jnp.zeros((), jnp.float32)
    for kk in range(_KABN):
        jk = idx_scr[row, kk]
        acc = acc + jnp.sum(jnp.where(lane32 == jk, sm, 0.0))
    selsc_ref[...] = jnp.broadcast_to((acc / float(_KABN)).reshape(1, 1),
                                      (1, 1, 128))

    @pl.when(jnp.logical_not(phase_a))
    def _():
        for kk in range(_KABN):
            jk = idx_scr[row, kk]
            feat_ref[0, kk] = dist_scr[:, pl.ds(jk, 1), :].reshape(
                _NCROPS, _F)


def _smap(i):
    return jnp.where(i < _BS, i + _BS, i - _BS)


def kernel(inputs, Wq, Wk, Wv, Wo, W1, b1, W2, b2, W3, b3):
    const2 = lambda i: (0, 0)
    in_specs = [
        pl.BlockSpec((1, _NCROPS, _T, _F), lambda i: (_smap(i), 0, 0, 0)),
        pl.BlockSpec((_F, _D), const2),
        pl.BlockSpec((_F, _D), const2),
        pl.BlockSpec((_F, _D), const2),
        pl.BlockSpec((_D, _F), const2),
        pl.BlockSpec((_F, _D), const2),
        pl.BlockSpec((1, _D), const2),
        pl.BlockSpec((_D, 128), const2),
        pl.BlockSpec((1, 128), const2),
        pl.BlockSpec((1, 128), const2),
        pl.BlockSpec((1, 1), const2),
    ]
    out_specs = [
        pl.BlockSpec((1, _NCROPS, _T, _KTOP), lambda i: (_smap(i), 0, 0, 0)),
        pl.BlockSpec((1, _KABN, _NCROPS, _F),
                     lambda i: (jnp.where(i < _BS, 0, i - _BS), 0, 0, 0)),
        pl.BlockSpec((1, 1, _T), lambda i: (_smap(i), 0, 0)),
        pl.BlockSpec((1, 1, 128), lambda i: (_smap(i), 0, 0)),
        pl.BlockSpec((1, _NCROPS, _T, _F),
                     lambda i: (jnp.where(i < _BS, i, _BS - 1), 0, 0, 0)),
        pl.BlockSpec((1, 1, _T),
                     lambda i: (jnp.where(i < _BS, i, _BS - 1), 0, 0)),
    ]
    out_shapes = [
        jax.ShapeDtypeStruct((_NSAMP, _NCROPS, _T, _KTOP), jnp.float32),
        jax.ShapeDtypeStruct((_BS, _KABN, _NCROPS, _F), jnp.float32),
        jax.ShapeDtypeStruct((_NSAMP, 1, _T), jnp.float32),
        jax.ShapeDtypeStruct((_NSAMP, 1, 128), jnp.float32),
        jax.ShapeDtypeStruct((_BS, _NCROPS, _T, _F), jnp.float32),
        jax.ShapeDtypeStruct((_BS, 1, _T), jnp.int32),
    ]
    (topk_all, feat_nor, scores_all, selsc_all, dist_abn,
     idxe) = pl.pallas_call(
        _step_kernel,
        grid=(_NSAMP,),
        in_specs=in_specs,
        out_specs=out_specs,
        out_shape=out_shapes,
        scratch_shapes=[
            pltpu.VMEM((_NCROPS, _T, _F), jnp.float32),
            pltpu.SMEM((_BS, _KABN), jnp.int32),
        ],
    )(inputs, Wq.astype(jnp.bfloat16), Wk.astype(jnp.bfloat16),
      Wv.astype(jnp.bfloat16), Wo.astype(jnp.bfloat16),
      W1.astype(jnp.bfloat16), b1.reshape(1, _D),
      W2.astype(jnp.bfloat16), b2.reshape(1, 128),
      W3.reshape(1, 128), b3.reshape(1, 1))

    nch = _F // 128
    distc = dist_abn.reshape(_BS * _NCROPS * _T * nch, 128)
    rows = idxe.reshape(_BS, _T)[:, :_NCROPS * _KABN]
    exp = (rows[:, :, None] * nch
           + jnp.arange(nch, dtype=jnp.int32)).reshape(1, -1)
    nwin = exp.shape[1] // 128
    mesh = plsc.VectorSubcoreMesh(core_axis_name="c", subcore_axis_name="s")

    @pl.kernel(out_type=jax.ShapeDtypeStruct((nwin * 128, 128), jnp.float32),
               mesh=mesh, scratch_types=[])
    def _sc_gather(x_hbm, i_hbm, o_hbm):
        def body(i_vmem, o_vmem):
            pltpu.sync_copy(x_hbm.at[i_vmem.at[0]], o_vmem)

        pltpu.emit_pipeline(
            body,
            grid=(nwin,),
            in_specs=[pl.BlockSpec((1, 128), index_map=lambda g: (0, g))],
            out_specs=[pl.BlockSpec((128, 128), index_map=lambda g: (g, 0))],
            core_axis_name=("c", "s"),
            dimension_semantics=(pltpu.PARALLEL,),
        )(i_hbm, o_hbm)

    gat = _sc_gather(distc, exp)
    feat_abnormal = gat.reshape(_BS, _NCROPS, _KABN, _F).transpose(
        1, 0, 2, 3).reshape(_NCROPS * _BS, _KABN, _F)

    topk_n_vals = topk_all[:_BS].reshape(_BS * _NCROPS, _T, _KTOP)
    topk_ab_vals = topk_all[_BS:].reshape(_BS * _NCROPS, _T, _KTOP)
    feat_normal = feat_nor.transpose(2, 0, 1, 3).reshape(
        _NCROPS * _BS, _KABN, _F)
    scores_out = scores_all.reshape(_NSAMP, _T, 1)
    score_normal = selsc_all[:_BS, 0, :1]
    score_abnormal = selsc_all[_BS:, 0, :1]
    return (score_abnormal, score_normal, topk_ab_vals, topk_n_vals,
            feat_abnormal, feat_normal, scores_out)

# --- scband reference (transcript-rebuilt; emitter-appended) ---
"""Pipeline reference for scband-model-40956808134827 (READ-ONLY COPY).

The authoritative reference and input builder live on the scoring server;
editing this copy changes nothing except your own understanding.
"""

import jax, jax.numpy as jnp
import numpy as np

BS = 8
NCROPS = 10
T = 32
F = 2048
D_ATTN = 512


def _attention(x, Wq, Wk, Wv, Wo):
    q = x @ Wq
    k = x @ Wk
    v = x @ Wv
    logits = jnp.einsum('btd,bsd->bts', q, k) / jnp.sqrt(jnp.float32(D_ATTN))
    attn = jax.nn.softmax(logits, axis=-1)
    out = jnp.einsum('bts,bsd->btd', attn, v) @ Wo
    return out + x


def _calculating_dist(features, index_dist):
    mag = jnp.sqrt(jnp.sum(features * features, axis=2) + 1e-12)
    w = jax.nn.softmax(mag / index_dist, axis=1)
    return features * w[:, :, None] * features.shape[1]


def _diff_seg(n_size, t, feat2, k_near):
    diff = jnp.mean(jnp.abs(feat2[:, k_near:, :] - feat2[:, :t - k_near, :]), axis=2)
    index_q = jnp.broadcast_to(jnp.arange(k_near, t), (n_size, t - k_near))
    return diff, index_q


def _xavier(key, shape):
    lim = float(np.sqrt(6.0 / (shape[0] + shape[1])))
    return jax.random.uniform(key, shape, jnp.float32, -lim, lim)


def setup_inputs(seed: int = 0):
    key = jax.random.key(seed)
    ks = jax.random.split(key, 8)
    inputs = jax.random.normal(ks[0], (2 * BS, NCROPS, T, F), dtype=jnp.float32)
    Wq = _xavier(ks[1], (F, D_ATTN))
    Wk = _xavier(ks[2], (F, D_ATTN))
    Wv = _xavier(ks[3], (F, D_ATTN))
    Wo = _xavier(ks[4], (D_ATTN, F))
    W1 = _xavier(ks[5], (F, 512)); b1 = jnp.zeros((512,), jnp.float32)
    W2 = _xavier(ks[6], (512, 128)); b2 = jnp.zeros((128,), jnp.float32)
    W3 = _xavier(ks[7], (128, 1)); b3 = jnp.zeros((1,), jnp.float32)
    return {"inputs": inputs, "Wq": Wq, "Wk": Wk, "Wv": Wv, "Wo": Wo,
            "W1": W1, "b1": b1, "W2": W2, "b2": b2, "W3": W3, "b3": b3}


def reference(inputs, Wq, Wk, Wv, Wo, W1, b1, W2, b2, W3, b3):
    bs, ncrops, t, f = inputs.shape
    batch_size = bs // 2
    k_abn = t // 10
    out = inputs.reshape(-1, t, f)
    out = _attention(out, Wq, Wk, Wv, Wo)
    # dropout in eval mode -> identity
    features = jax.nn.relu(out)
    s = jax.nn.relu(features @ W1 + b1)
    s = jax.nn.relu(s @ W2 + b2)
    scores = jax.nn.sigmoid(s @ W3 + b3)
    scores = scores.reshape(bs, ncrops, -1).mean(axis=1)[:, :, None]
    normal_features = features[: batch_size * ncrops]
    normal_scores = scores[:batch_size]
    abnormal_features = features[batch_size * ncrops:]
    abnormal_scores = scores[batch_size:]
    n_size = bs // 2
    abnormal_features2 = abnormal_features.reshape(n_size, ncrops, t, f).mean(axis=1)
    normal_features2 = normal_features.reshape(n_size, ncrops, t, f).mean(axis=1)  # computed, unused (faithful)
    abnormal_dist_features = _calculating_dist(abnormal_features, 6.0)
    normal_dist_features = _calculating_dist(normal_features, 5.0)
    topk_ab_vals, _ = jax.lax.top_k(abnormal_dist_features, 4)
    topk_n_vals, _ = jax.lax.top_k(normal_dist_features, 4)
    k_near = 3
    diff_ab, idxq_ab = _diff_seg(n_size, t, abnormal_features2, k_near)
    _, top_idx_ab = jax.lax.top_k(diff_ab, k_abn)
    new_idx_abn = jnp.take_along_axis(idxq_ab, top_idx_ab, axis=1)
    abn_r = abnormal_dist_features.reshape(n_size, ncrops, t, f).transpose(1, 0, 2, 3)
    idx_feat_ab = jnp.broadcast_to(new_idx_abn[None, :, :, None], (ncrops, n_size, k_abn, f))
    feat_abnormal = jnp.take_along_axis(abn_r, idx_feat_ab, axis=2).reshape(ncrops * n_size, k_abn, f)
    score_abnormal = jnp.mean(jnp.take_along_axis(abnormal_scores, new_idx_abn[:, :, None], axis=1), axis=1)
    # original code calls diff_seg on abnormal_features2 for the normal branch too (kept faithful)
    diff_n, idxq_n = _diff_seg(n_size, t, abnormal_features2, k_near)
    _, top_idx_n = jax.lax.top_k(diff_n, k_abn)
    new_idx_n = jnp.take_along_axis(idxq_n, top_idx_n, axis=1)
    nor_r = normal_dist_features.reshape(n_size, ncrops, t, f).transpose(1, 0, 2, 3)
    idx_feat_n = jnp.broadcast_to(new_idx_n[None, :, :, None], (ncrops, n_size, k_abn, f))
    feat_normal = jnp.take_along_axis(nor_r, idx_feat_n, axis=2).reshape(ncrops * n_size, k_abn, f)
    score_normal = jnp.mean(jnp.take_along_axis(normal_scores, new_idx_n[:, :, None], axis=1), axis=1)
    scores_out = jnp.concatenate((normal_scores, abnormal_scores), axis=0)
    return (score_abnormal, score_normal, topk_ab_vals, topk_n_vals, feat_abnormal, feat_normal, scores_out)

if __name__ == "__main__":
    import jax
    _d = setup_inputs()
    print(jax.jit(kernel)(*tuple(_d.values())))

</pallas_src>

<mosaic_0001>
#map = affine_map<(d0, d1) -> (0, 0)>
module attributes {stable_mosaic.version = 14 : i64} {
  func.func @_sc_gather(%arg0: i32, %arg1: i32, %arg2: memref<40960x128xf32, #tpu.memory_space<hbm>>, %arg3: memref<1x3840xi32, #tpu.memory_space<hbm>>, %arg4: memref<3840x128xf32, #tpu.memory_space<hbm>>) attributes {dimension_semantics = [#tpu.dimension_semantics<core_parallel>, #tpu.dimension_semantics<subcore_parallel>], iteration_bounds = array<i64: 2, 16>, scalar_prefetch = 0 : i64, scratch_operands = 0 : i64, tpu.core_type = #tpu.core_type<sc_vector_subcore>, window_params = [{transform_indices = #map}, {transform_indices = #map}, {transform_indices = #map}]} {
    %mul3A = arith.constant 1 : i32
    %mul3A_0 = arith.muli %arg1, %mul3A : i32
    %add3A = arith.constant 0 : i32
    %add3A_1 = arith.addi %add3A, %mul3A_0 : i32
    %mul3A_2 = arith.constant 16 : i32
    %mul3A_3 = arith.muli %arg0, %mul3A_2 : i32
    %add3A_4 = arith.addi %add3A_1, %mul3A_3 : i32
    %lt3A = arith.constant 30 : i32
    %lt3A_5 = arith.cmpi slt, %add3A_4, %lt3A : i32
    %jit3A = arith.constant 1 : i32
    %jit3A_6 = arith.constant 0 : i32
    %select_n3A = arith.select %lt3A_5, %jit3A, %jit3A_6 : i32
    %lt3A_7 = arith.constant 30 : i32
    %lt3A_8 = arith.cmpi slt, %add3A_4, %lt3A_7 : i32
    %mul3A_9 = arith.muli %add3A_4, %select_n3A : i32
    %mul3A_10 = arith.constant 0 : i32
    %mul3A_11 = arith.muli %add3A_4, %mul3A_10 : i32
    %add3A_12 = arith.constant 30 : i32
    %add3A_13 = arith.addi %mul3A_11, %add3A_12 : i32
    %select_n3A_14 = arith.select %lt3A_8, %mul3A_9, %add3A_13 : i32
    %mul3A_15 = arith.constant 1 : i32
    %mul3A_16 = arith.muli %mul3A_15, %select_n3A : i32
    "tpu.region"() ({
      %run_scoped3A = memref.alloca() : memref<2x1x128xi32, #tpu.memory_space<vmem>>
      %run_scoped3A_17 = tpu.sem_alloc : memref<2x!tpu.dma_semaphore, #tpu.memory_space<semaphore_mem>>
      %run_scoped3A_18 = memref.alloca() : memref<2x128x128xf32, #tpu.memory_space<vmem>>
      %run_scoped3A_19 = tpu.sem_alloc : memref<2x!tpu.dma_semaphore, #tpu.memory_space<semaphore_mem>>
      %gt3A = arith.constant 0 : i32
      %gt3A_20 = arith.cmpi sgt, %mul3A_16, %gt3A : i32
      %convert_element_type3A = arith.extui %gt3A_20 : i1 to i32
      %cond3A = arith.constant 0 : i32
      %cond3A_21 = arith.cmpi ne, %convert_element_type3A, %cond3A : i32
      scf.if %cond3A_21 {
        %mul3A_22 = arith.constant 1 : i32
        %mul3A_23 = arith.muli %mul3A_22, %select_n3A : i32
        %sub3A = arith.constant 1 : i32
        %sub3A_24 = arith.subi %mul3A_23, %sub3A : i32
        %eq3A = arith.constant 0 : i32
        %eq3A_25 = arith.cmpi eq, %sub3A_24, %eq3A : i32
        %add3A_26 = arith.constant 0 : i32
        %add3A_27 = arith.addi %add3A_26, %select_n3A_14 : i32
        %select_n3A_28 = arith.constant true
        %select_n3A_29 = arith.constant 0 : i32
        %select_n3A_30 = arith.constant -1 : i32
        %select_n3A_31 = arith.select %select_n3A_28, %select_n3A_30, %select_n3A_29 : i32
        %eq3A_32 = arith.constant -1 : i32
        %eq3A_33 = arith.cmpi eq, %select_n3A_31, %eq3A_32 : i32
        %sub3A_34 = arith.constant 1 : i32
        %sub3A_35 = arith.subi %select_n3A, %sub3A_34 : i32
        %select_n3A_36 = arith.select %eq3A_33, %sub3A_35, %select_n3A_31 : i32
        %add3A_37 = arith.addi %select_n3A_36, %select_n3A_14 : i32
        %select_n3A_38 = arith.constant true
        %select_n3A_39 = arith.constant 0 : i32
        %select_n3A_40 = arith.constant 1 : i32
        %select_n3A_41 = arith.select %select_n3A_38, %select_n3A_40, %select_n3A_39 : i32
        %eq3A_42 = arith.cmpi eq, %select_n3A_41, %select_n3A : i32
        %select_n3A_43 = arith.constant 0 : i32
        %select_n3A_44 = arith.select %eq3A_42, %select_n3A_43, %select_n3A_41 : i32
        %add3A_45 = arith.addi %select_n3A_44, %select_n3A_14 : i32
        %add3A_46 = arith.constant 1 : i32
        %add3A_47 = arith.addi %select_n3A_44, %add3A_46 : i32
        %select_n3A_48 = arith.constant true
        %select_n3A_49 = arith.select %select_n3A_48, %add3A_47, %select_n3A_44 : i32
        %eq3A_50 = arith.cmpi eq, %select_n3A_49, %select_n3A : i32
        %select_n3A_51 = arith.constant 0 : i32
        %select_n3A_52 = arith.select %eq3A_50, %select_n3A_51, %select_n3A_49 : i32
        %add3A_53 = arith.addi %select_n3A_52, %select_n3A_14 : i32
        "tpu.trace_start"() <{level = 10 : i32, message = "ep_initialize_0"}> : () -> ()
        %rem3A = arith.constant 0 : i32
        %rem3A_54 = arith.constant 2 : i32
        %rem3A_55 = arith.remui %rem3A, %rem3A_54 : i32
        %mul3A_56 = arith.constant 128 : i32
        %mul3A_57 = arith.muli %mul3A_56, %add3A_27 : i32
        %dma_start3A = arith.constant 0 : i32
        %dma_start3A_58 = arith.constant 0 : i32
        %dma_start3A_59 = tpu.memref_slice %run_scoped3A[%rem3A_55, %dma_start3A, %dma_start3A_58] : memref<2x1x128xi32, #tpu.memory_space<vmem>> -> memref<1x1x128xi32, #tpu.memory_space<vmem>>
        %dma_start3A_60 = tpu.memref_squeeze %dma_start3A_59 : memref<1x1x128xi32, #tpu.memory_space<vmem>> -> memref<1x128xi32, #tpu.memory_space<vmem>>
        %dma_start3A_61 = arith.constant 0 : i32
        %dma_start3A_62 = tpu.memref_slice %arg3[%dma_start3A_61, %mul3A_57] : memref<1x3840xi32, #tpu.memory_space<hbm>> -> memref<1x128xi32, #tpu.memory_space<hbm>>
        %dma_start3A_63 = tpu.memref_slice %run_scoped3A_17[%rem3A_55] : memref<2x!tpu.dma_semaphore, #tpu.memory_space<semaphore_mem>> -> memref<1x!tpu.dma_semaphore, #tpu.memory_space<semaphore_mem>>
        %dma_start3A_64 = tpu.memref_squeeze %dma_start3A_63 : memref<1x!tpu.dma_semaphore, #tpu.memory_space<semaphore_mem>> -> memref<!tpu.dma_semaphore, #tpu.memory_space<semaphore_mem>>
        %dma_start3A_65 = arith.constant 0 : i32
        %dma_start3A_66 = arith.constant 0 : i32
        %dma_start3A_67 = tpu.memref_slice %run_scoped3A[%rem3A_55, %dma_start3A_65, %dma_start3A_66] : memref<2x1x128xi32, #tpu.memory_space<vmem>> -> memref<1x1x128xi32, #tpu.memory_space<vmem>>
        %dma_start3A_68 = tpu.memref_squeeze %dma_start3A_67 : memref<1x1x128xi32, #tpu.memory_space<vmem>> -> memref<1x128xi32, #tpu.memory_space<vmem>>
        %dma_start3A_69 = arith.constant 0 : i32
        %dma_start3A_70 = tpu.memref_slice %arg3[%dma_start3A_69, %mul3A_57] : memref<1x3840xi32, #tpu.memory_space<hbm>> -> memref<1x128xi32, #tpu.memory_space<hbm>>
        tpu.enqueue_dma source(%dma_start3A_70 : memref<1x128xi32, #tpu.memory_space<hbm>>) target(%dma_start3A_68 : memref<1x128xi32, #tpu.memory_space<vmem>>) target_semaphore(%dma_start3A_64 : memref<!tpu.dma_semaphore, #tpu.memory_space<semaphore_mem>>)
        %add3A_71 = arith.constant 0 : i32
        %add3A_72 = arith.constant 1 : i32
        %add3A_73 = arith.addi %add3A_71, %add3A_72 : i32
        %select_n3A_74 = arith.constant true
        %select_n3A_75 = arith.constant 0 : i32
        %select_n3A_76 = arith.select %select_n3A_74, %add3A_73, %select_n3A_75 : i32
        %while3A = arith.constant 0 : i32
        %while3A_77 = arith.constant 0 : i32
        %while3A_78 = arith.constant 0 : i32
        %while3A_79 = arith.constant 0 : i32
        %while3A_80 = arith.constant 0 : i32
        "tpu.trace_stop"() : () -> ()
        %while3A_81 = arith.subi %mul3A_16, %while3A : i32
        %while3A_82 = arith.addi %while3A, %while3A_81 : i32
        %while3A_83 = arith.constant 1 : i32
        %while3A_84 = arith.divsi %while3A_81, %while3A_83 : i32
        %while3A_85 = arith.muli %while3A_84, %while3A_83 : i32
        %while3A_86 = arith.addi %while3A, %while3A_85 : i32
        %while3A_87 = arith.constant 1 : i32
        %while3A_88:5 = scf.for %while3A_142 = %while3A to %while3A_86 step %while3A_87 iter_args(%while3A_143 = %select_n3A_76, %while3A_144 = %while3A_77, %while3A_145 = %while3A_78, %while3A_146 = %while3A_79, %while3A_147 = %while3A_80) -> (i32, i32, i32, i32, i32)  : i32 {
          %mul3A_148 = arith.constant 1 : i32
          %mul3A_149 = arith.muli %mul3A_148, %select_n3A : i32
          %eq3A_150 = arith.constant 0 : i32
          %eq3A_151 = arith.cmpi eq, %while3A_142, %eq3A_150 : i32
          %sub3A_152 = arith.constant 1 : i32
          %sub3A_153 = arith.subi %mul3A_149, %sub3A_152 : i32
          %eq3A_154 = arith.cmpi eq, %while3A_142, %sub3A_153 : i32
          %add3A_155 = arith.addi %while3A_147, %select_n3A_14 : i32
          %sub3A_156 = arith.constant 1 : i32
          %sub3A_157 = arith.subi %while3A_147, %sub3A_156 : i32
          %select_n3A_158 = arith.constant true
          %select_n3A_159 = arith.select %select_n3A_158, %sub3A_157, %while3A_147 : i32
          %eq3A_160 = arith.constant -1 : i32
          %eq3A_161 = arith.cmpi eq, %select_n3A_159, %eq3A_160 : i32
          %sub3A_162 = arith.constant 1 : i32
          %sub3A_163 = arith.subi %select_n3A, %sub3A_162 : i32
          %select_n3A_164 = arith.select %eq3A_161, %sub3A_163, %select_n3A_159 : i32
          %add3A_165 = arith.addi %select_n3A_164, %select_n3A_14 : i32
          %add3A_166 = arith.constant 1 : i32
          %add3A_167 = arith.addi %while3A_147, %add3A_166 : i32
          %select_n3A_168 = arith.constant true
          %select_n3A_169 = arith.select %select_n3A_168, %add3A_167, %while3A_147 : i32
          %eq3A_170 = arith.cmpi eq, %select_n3A_169, %select_n3A : i32
          %select_n3A_171 = arith.constant 0 : i32
          %select_n3A_172 = arith.select %eq3A_170, %select_n3A_171, %select_n3A_169 : i32
          %add3A_173 = arith.addi %select_n3A_172, %select_n3A_14 : i32
          %add3A_174 = arith.constant 1 : i32
          %add3A_175 = arith.addi %select_n3A_172, %add3A_174 : i32
          %select_n3A_176 = arith.constant true
          %select_n3A_177 = arith.select %select_n3A_176, %add3A_175, %select_n3A_172 : i32
          %eq3A_178 = arith.cmpi eq, %select_n3A_177, %select_n3A : i32
          %select_n3A_179 = arith.constant 0 : i32
          %select_n3A_180 = arith.select %eq3A_178, %select_n3A_179, %select_n3A_177 : i32
          %add3A_181 = arith.addi %select_n3A_180, %select_n3A_14 : i32
          %ne3A = arith.cmpi ne, %add3A_155, %add3A_173 : i32
          %or3A = arith.constant false
          %or3A_182 = arith.ori %or3A, %ne3A : i1
          %sub3A_183 = arith.constant 2 : i32
          %sub3A_184 = arith.subi %mul3A_149, %sub3A_183 : i32
          %add3A_185 = arith.constant 1 : i32
          %add3A_186 = arith.addi %sub3A_184, %add3A_185 : i32
          %ge3A = arith.cmpi sge, %while3A_142, %add3A_186 : i32
          %not3A = arith.constant true
          %not3A_187 = arith.xori %ge3A, %not3A : i1
          %and3A = arith.andi %or3A_182, %not3A_187 : i1
          %convert_element_type3A_188 = arith.extui %and3A : i1 to i32
          %cond3A_189 = arith.constant 0 : i32
          %cond3A_190 = arith.cmpi ne, %convert_element_type3A_188, %cond3A_189 : i32
          scf.if %cond3A_190 {
            "tpu.trace_start"() <{level = 10 : i32, message = "ep_copy_in"}> : () -> ()
            %rem3A_294 = arith.constant 2 : i32
            %rem3A_295 = arith.remui %while3A_143, %rem3A_294 : i32
            %mul3A_296 = arith.constant 128 : i32
            %mul3A_297 = arith.muli %mul3A_296, %add3A_173 : i32
            %dma_start3A_298 = arith.constant 0 : i32
            %dma_start3A_299 = arith.constant 0 : i32
            %dma_start3A_300 = tpu.memref_slice %run_scoped3A[%rem3A_295, %dma_start3A_298, %dma_start3A_299] : memref<2x1x128xi32, #tpu.memory_space<vmem>> -> memref<1x1x128xi32, #tpu.memory_space<vmem>>
            %dma_start3A_301 = tpu.memref_squeeze %dma_start3A_300 : memref<1x1x128xi32, #tpu.memory_space<vmem>> -> memref<1x128xi32, #tpu.memory_space<vmem>>
            %dma_start3A_302 = arith.constant 0 : i32
            %dma_start3A_303 = tpu.memref_slice %arg3[%dma_start3A_302, %mul3A_297] : memref<1x3840xi32, #tpu.memory_space<hbm>> -> memref<1x128xi32, #tpu.memory_space<hbm>>
            %dma_start3A_304 = tpu.memref_slice %run_scoped3A_17[%rem3A_295] : memref<2x!tpu.dma_semaphore, #tpu.memory_space<semaphore_mem>> -> memref<1x!tpu.dma_semaphore, #tpu.memory_space<semaphore_mem>>
            %dma_start3A_305 = tpu.memref_squeeze %dma_start3A_304 : memref<1x!tpu.dma_semaphore, #tpu.memory_space<semaphore_mem>> -> memref<!tpu.dma_semaphore, #tpu.memory_space<semaphore_mem>>
            %dma_start3A_306 = arith.constant 0 : i32
            %dma_start3A_307 = arith.constant 0 : i32
            %dma_start3A_308 = tpu.memref_slice %run_scoped3A[%rem3A_295, %dma_start3A_306, %dma_start3A_307] : memref<2x1x128xi32, #tpu.memory_space<vmem>> -> memref<1x1x128xi32, #tpu.memory_space<vmem>>
            %dma_start3A_309 = tpu.memref_squeeze %dma_start3A_308 : memref<1x1x128xi32, #tpu.memory_space<vmem>> -> memref<1x128xi32, #tpu.memory_space<vmem>>
            %dma_start3A_310 = arith.constant 0 : i32
            %dma_start3A_311 = tpu.memref_slice %arg3[%dma_start3A_310, %mul3A_297] : memref<1x3840xi32, #tpu.memory_space<hbm>> -> memref<1x128xi32, #tpu.memory_space<hbm>>
            tpu.enqueue_dma source(%dma_start3A_311 : memref<1x128xi32, #tpu.memory_space<hbm>>) target(%dma_start3A_309 : memref<1x128xi32, #tpu.memory_space<vmem>>) target_semaphore(%dma_start3A_305 : memref<!tpu.dma_semaphore, #tpu.memory_space<semaphore_mem>>)
            "tpu.trace_stop"() : () -> ()
          } else {
          }
          %and3A_191 = arith.constant true
          %and3A_192 = arith.andi %and3A, %and3A_191 : i1
          %add3A_193 = arith.constant 1 : i32
          %add3A_194 = arith.addi %while3A_143, %add3A_193 : i32
          %select_n3A_195 = arith.select %and3A_192, %add3A_194, %while3A_143 : i32
          %ne3A_196 = arith.cmpi ne, %add3A_155, %add3A_173 : i32
          %or3A_197 = arith.constant false
          %or3A_198 = arith.ori %or3A_197, %ne3A_196 : i1
          %or3A_199 = arith.constant false
          %or3A_200 = arith.ori %or3A_198, %or3A_199 : i1
          %sub3A_201 = arith.constant 2 : i32
          %sub3A_202 = arith.subi %mul3A_149, %sub3A_201 : i32
          %add3A_203 = arith.constant 1 : i32
          %add3A_204 = arith.addi %sub3A_202, %add3A_203 : i32
          %ge3A_205 = arith.cmpi sge, %while3A_142, %add3A_204 : i32
          %not3A_206 = arith.constant true
          %not3A_207 = arith.xori %ge3A_205, %not3A_206 : i1
          %and3A_208 = arith.andi %or3A_200, %not3A_207 : i1
          %ne3A_209 = arith.cmpi ne, %add3A_155, %add3A_165 : i32
          %or3A_210 = arith.constant false
          %or3A_211 = arith.ori %or3A_210, %ne3A_209 : i1
          %or3A_212 = arith.ori %or3A_211, %eq3A_151 : i1
          %convert_element_type3A_213 = arith.extui %or3A_212 : i1 to i32
          %cond3A_214 = arith.constant 0 : i32
          %cond3A_215 = arith.cmpi ne, %convert_element_type3A_213, %cond3A_214 : i32
          scf.if %cond3A_215 {
            "tpu.trace_start"() <{level = 10 : i32, message = "ep_wait_in"}> : () -> ()
            %mul3A_294 = arith.constant 128 : i32
            %mul3A_295 = arith.muli %mul3A_294, %add3A_155 : i32
            %rem3A_296 = arith.constant 2 : i32
            %rem3A_297 = arith.remui %while3A_144, %rem3A_296 : i32
            %dma_wait3A = arith.constant 0 : i32
            %dma_wait3A_298 = arith.constant 0 : i32
            %dma_wait3A_299 = tpu.memref_slice %run_scoped3A[%rem3A_297, %dma_wait3A, %dma_wait3A_298] : memref<2x1x128xi32, #tpu.memory_space<vmem>> -> memref<1x1x128xi32, #tpu.memory_space<vmem>>
            %dma_wait3A_300 = tpu.memref_squeeze %dma_wait3A_299 : memref<1x1x128xi32, #tpu.memory_space<vmem>> -> memref<1x128xi32, #tpu.memory_space<vmem>>
            %dma_wait3A_301 = arith.constant 0 : i32
            %dma_wait3A_302 = tpu.memref_slice %arg3[%dma_wait3A_301, %mul3A_295] : memref<1x3840xi32, #tpu.memory_space<hbm>> -> memref<1x128xi32, #tpu.memory_space<hbm>>
            %dma_wait3A_303 = tpu.memref_slice %run_scoped3A_17[%rem3A_297] : memref<2x!tpu.dma_semaphore, #tpu.memory_space<semaphore_mem>> -> memref<1x!tpu.dma_semaphore, #tpu.memory_space<semaphore_mem>>
            %dma_wait3A_304 = tpu.memref_squeeze %dma_wait3A_303 : memref<1x!tpu.dma_semaphore, #tpu.memory_space<semaphore_mem>> -> memref<!tpu.dma_semaphore, #tpu.memory_space<semaphore_mem>>
            %dma_wait3A_305 = arith.constant 0 : i32
            %dma_wait3A_306 = arith.constant 0 : i32
            %dma_wait3A_307 = tpu.memref_slice %run_scoped3A[%rem3A_297, %dma_wait3A_305, %dma_wait3A_306] : memref<2x1x128xi32, #tpu.memory_space<vmem>> -> memref<1x1x128xi32, #tpu.memory_space<vmem>>
            %dma_wait3A_308 = tpu.memref_squeeze %dma_wait3A_307 : memref<1x1x128xi32, #tpu.memory_space<vmem>> -> memref<1x128xi32, #tpu.memory_space<vmem>>
            %dma_wait3A_309 = arith.constant 0 : i32
            %dma_wait3A_310 = tpu.memref_slice %arg3[%dma_wait3A_309, %mul3A_295] : memref<1x3840xi32, #tpu.memory_space<hbm>> -> memref<1x128xi32, #tpu.memory_space<hbm>>
            tpu.wait_dma2 semaphore(%dma_wait3A_304 : memref<!tpu.dma_semaphore, #tpu.memory_space<semaphore_mem>>) src(%dma_wait3A_310 : memref<1x128xi32, #tpu.memory_space<hbm>>) dst(%dma_wait3A_308 : memref<1x128xi32, #tpu.memory_space<vmem>>)
            "tpu.trace_stop"() : () -> ()
          } else {
          }
          %ne3A_216 = arith.cmpi ne, %add3A_155, %add3A_165 : i32
          %or3A_217 = arith.constant false
          %or3A_218 = arith.ori %or3A_217, %ne3A_216 : i1
          %or3A_219 = arith.constant false
          %or3A_220 = arith.ori %or3A_218, %or3A_219 : i1
          %or3A_221 = arith.ori %or3A_220, %eq3A_151 : i1
          %convert_element_type3A_222 = arith.extui %or3A_221 : i1 to i32
          %cond3A_223 = arith.constant 0 : i32
          %cond3A_224 = arith.cmpi ne, %convert_element_type3A_222, %cond3A_223 : i32
          scf.if %cond3A_224 {
          } else {
          }
          %rem3A_225 = arith.constant 2 : i32
          %rem3A_226 = arith.remui %while3A_144, %rem3A_225 : i32
          %rem3A_227 = arith.constant 2 : i32
          %rem3A_228 = arith.remui %while3A_145, %rem3A_227 : i32
          %run_scoped3A_229 = arith.constant 0 : i32
          "tpu.trace_start"() <{level = 10 : i32, message = "ep_run_kernel"}> : () -> ()
          "tpu.region"() ({
            %run_scoped3A_294 = tpu.sem_alloc : memref<!tpu.dma_semaphore, #tpu.memory_space<semaphore_mem>>
            %dma_start3A_295 = arith.constant 0 : i32
            %dma_start3A_296 = arith.constant 0 : i32
            %dma_start3A_297 = tpu.memref_slice %run_scoped3A_18[%rem3A_228, %dma_start3A_295, %dma_start3A_296] : memref<2x128x128xf32, #tpu.memory_space<vmem>> -> memref<1x128x128xf32, #tpu.memory_space<vmem>>
            %dma_start3A_298 = tpu.memref_squeeze %dma_start3A_297 : memref<1x128x128xf32, #tpu.memory_space<vmem>> -> memref<128x128xf32, #tpu.memory_space<vmem>>
            %dma_start3A_299 = arith.constant 0 : i32
            %dma_start3A_300 = arith.constant 0 : i32
            %dma_start3A_301 = tpu.memref_slice %run_scoped3A[%rem3A_226, %dma_start3A_299, %dma_start3A_300] : memref<2x1x128xi32, #tpu.memory_space<vmem>> -> memref<1x1x128xi32, #tpu.memory_space<vmem>>
            %dma_start3A_302 = tpu.memref_squeeze %dma_start3A_301 : memref<1x1x128xi32, #tpu.memory_space<vmem>> -> memref<1x128xi32, #tpu.memory_space<vmem>>
            %dma_start3A_303 = arith.constant 0 : i32
            %dma_start3A_304 = tpu.memref_slice %dma_start3A_302[%run_scoped3A_229, %dma_start3A_303] : memref<1x128xi32, #tpu.memory_space<vmem>> -> memref<1x128xi32, #tpu.memory_space<vmem>>
            %dma_start3A_305 = tpu.memref_squeeze %dma_start3A_304 : memref<1x128xi32, #tpu.memory_space<vmem>> -> memref<128xi32, #tpu.memory_space<vmem>>
            %dma_start3A_306 = arith.constant 0 : i32
            %dma_start3A_307 = arith.constant 0 : i32
            %dma_start3A_308 = tpu.memref_slice %arg2[%dma_start3A_306, %dma_start3A_307] : memref<40960x128xf32, #tpu.memory_space<hbm>> -> memref<40960x128xf32, #tpu.memory_space<hbm>>
            tpu.enqueue_indirect_dma source(%dma_start3A_308 : memref<40960x128xf32, #tpu.memory_space<hbm>>) target(%dma_start3A_298 : memref<128x128xf32, #tpu.memory_space<vmem>>) offsets(%dma_start3A_305 : memref<128xi32, #tpu.memory_space<vmem>>) semaphore(%run_scoped3A_294 : memref<!tpu.dma_semaphore, #tpu.memory_space<semaphore_mem>>)
            %dma_wait3A = arith.constant 0 : i32
            %dma_wait3A_309 = arith.constant 0 : i32
            %dma_wait3A_310 = tpu.memref_slice %run_scoped3A_18[%rem3A_228, %dma_wait3A, %dma_wait3A_309] : memref<2x128x128xf32, #tpu.memory_space<vmem>> -> memref<1x128x128xf32, #tpu.memory_space<vmem>>
            %dma_wait3A_311 = tpu.memref_squeeze %dma_wait3A_310 : memref<1x128x128xf32, #tpu.memory_space<vmem>> -> memref<128x128xf32, #tpu.memory_space<vmem>>
            %dma_wait3A_312 = arith.constant 0 : i32
            %dma_wait3A_313 = arith.constant 0 : i32
            %dma_wait3A_314 = tpu.memref_slice %run_scoped3A[%rem3A_226, %dma_wait3A_312, %dma_wait3A_313] : memref<2x1x128xi32, #tpu.memory_space<vmem>> -> memref<1x1x128xi32, #tpu.memory_space<vmem>>
            %dma_wait3A_315 = tpu.memref_squeeze %dma_wait3A_314 : memref<1x1x128xi32, #tpu.memory_space<vmem>> -> memref<1x128xi32, #tpu.memory_space<vmem>>
            %dma_wait3A_316 = arith.constant 0 : i32
            %dma_wait3A_317 = tpu.memref_slice %dma_wait3A_315[%run_scoped3A_229, %dma_wait3A_316] : memref<1x128xi32, #tpu.memory_space<vmem>> -> memref<1x128xi32, #tpu.memory_space<vmem>>
            %dma_wait3A_318 = tpu.memref_squeeze %dma_wait3A_317 : memref<1x128xi32, #tpu.memory_space<vmem>> -> memref<128xi32, #tpu.memory_space<vmem>>
            %dma_wait3A_319 = arith.constant 0 : i32
            %dma_wait3A_320 = arith.constant 0 : i32
            %dma_wait3A_321 = tpu.memref_slice %arg2[%dma_wait3A_319, %dma_wait3A_320] : memref<40960x128xf32, #tpu.memory_space<hbm>> -> memref<40960x128xf32, #tpu.memory_space<hbm>>
            tpu.wait_indirect_dma semaphore(%run_scoped3A_294 : memref<!tpu.dma_semaphore, #tpu.memory_space<semaphore_mem>>) src(%dma_wait3A_321 : memref<40960x128xf32, #tpu.memory_space<hbm>>) dst(%dma_wait3A_311 : memref<128x128xf32, #tpu.memory_space<vmem>>)
            tpu.yield
          }) : () -> ()
          "tpu.trace_stop"() : () -> ()
          %ne3A_230 = arith.cmpi ne, %add3A_155, %add3A_173 : i32
          %or3A_231 = arith.constant false
          %or3A_232 = arith.ori %or3A_231, %ne3A_230 : i1
          %or3A_233 = arith.ori %or3A_232, %eq3A_154 : i1
          %convert_element_type3A_234 = arith.extui %or3A_233 : i1 to i32
          %cond3A_235 = arith.constant 0 : i32
          %cond3A_236 = arith.cmpi ne, %convert_element_type3A_234, %cond3A_235 : i32
          scf.if %cond3A_236 {
          } else {
          }
          %and3A_237 = arith.constant false
          %and3A_238 = arith.andi %or3A_233, %and3A_237 : i1
          %ne3A_239 = arith.cmpi ne, %add3A_155, %add3A_173 : i32
          %or3A_240 = arith.constant false
          %or3A_241 = arith.ori %or3A_240, %ne3A_239 : i1
          %or3A_242 = arith.constant false
          %or3A_243 = arith.ori %or3A_241, %or3A_242 : i1
          %or3A_244 = arith.ori %or3A_243, %eq3A_154 : i1
          %convert_element_type3A_245 = arith.extui %or3A_244 : i1 to i32
          %cond3A_246 = arith.constant 0 : i32
          %cond3A_247 = arith.cmpi ne, %convert_element_type3A_245, %cond3A_246 : i32
          scf.if %cond3A_247 {
            "tpu.trace_start"() <{level = 10 : i32, message = "ep_copy_out"}> : () -> ()
            %rem3A_294 = arith.constant 2 : i32
            %rem3A_295 = arith.remui %while3A_145, %rem3A_294 : i32
            %mul3A_296 = arith.constant 128 : i32
            %mul3A_297 = arith.muli %mul3A_296, %add3A_155 : i32
            %dma_start3A_298 = arith.constant 0 : i32
            %dma_start3A_299 = arith.constant 0 : i32
            %dma_start3A_300 = tpu.memref_slice %run_scoped3A_18[%rem3A_295, %dma_start3A_298, %dma_start3A_299] : memref<2x128x128xf32, #tpu.memory_space<vmem>> -> memref<1x128x128xf32, #tpu.memory_space<vmem>>
            %dma_start3A_301 = tpu.memref_squeeze %dma_start3A_300 : memref<1x128x128xf32, #tpu.memory_space<vmem>> -> memref<128x128xf32, #tpu.memory_space<vmem>>
            %dma_start3A_302 = arith.constant 0 : i32
            %dma_start3A_303 = tpu.memref_slice %arg4[%mul3A_297, %dma_start3A_302] : memref<3840x128xf32, #tpu.memory_space<hbm>> -> memref<128x128xf32, #tpu.memory_space<hbm>>
            %dma_start3A_304 = tpu.memref_slice %run_scoped3A_19[%rem3A_295] : memref<2x!tpu.dma_semaphore, #tpu.memory_space<semaphore_mem>> -> memref<1x!tpu.dma_semaphore, #tpu.memory_space<semaphore_mem>>
            %dma_start3A_305 = tpu.memref_squeeze %dma_start3A_304 : memref<1x!tpu.dma_semaphore, #tpu.memory_space<semaphore_mem>> -> memref<!tpu.dma_semaphore, #tpu.memory_space<semaphore_mem>>
            %dma_start3A_306 = arith.constant 0 : i32
            %dma_start3A_307 = tpu.memref_slice %arg4[%mul3A_297, %dma_start3A_306] : memref<3840x128xf32, #tpu.memory_space<hbm>> -> memref<128x128xf32, #tpu.memory_space<hbm>>
            %dma_start3A_308 = arith.constant 0 : i32
            %dma_start3A_309 = arith.constant 0 : i32
            %dma_start3A_310 = tpu.memref_slice %run_scoped3A_18[%rem3A_295, %dma_start3A_308, %dma_start3A_309] : memref<2x128x128xf32, #tpu.memory_space<vmem>> -> memref<1x128x128xf32, #tpu.memory_space<vmem>>
            %dma_start3A_311 = tpu.memref_squeeze %dma_start3A_310 : memref<1x128x128xf32, #tpu.memory_space<vmem>> -> memref<128x128xf32, #tpu.memory_space<vmem>>
            tpu.enqueue_dma source(%dma_start3A_311 : memref<128x128xf32, #tpu.memory_space<vmem>>) target(%dma_start3A_307 : memref<128x128xf32, #tpu.memory_space<hbm>>) target_semaphore(%dma_start3A_305 : memref<!tpu.dma_semaphore, #tpu.memory_space<semaphore_mem>>)
            "tpu.trace_stop"() : () -> ()
          } else {
          }
          %and3A_248 = arith.constant true
          %and3A_249 = arith.andi %or3A_244, %and3A_248 : i1
          %add3A_250 = arith.constant 1 : i32
          %add3A_251 = arith.addi %while3A_145, %add3A_250 : i32
          %select_n3A_252 = arith.select %and3A_249, %add3A_251, %while3A_145 : i32
          %ne3A_253 = arith.cmpi ne, %add3A_155, %add3A_165 : i32
          %or3A_254 = arith.constant false
          %or3A_255 = arith.ori %or3A_254, %ne3A_253 : i1
          %not3A_256 = arith.constant true
          %not3A_257 = arith.xori %eq3A_151, %not3A_256 : i1
          %and3A_258 = arith.andi %or3A_255, %not3A_257 : i1
          %convert_element_type3A_259 = arith.extui %and3A_258 : i1 to i32
          %cond3A_260 = arith.constant 0 : i32
          %cond3A_261 = arith.cmpi ne, %convert_element_type3A_259, %cond3A_260 : i32
          scf.if %cond3A_261 {
          } else {
          }
          %and3A_262 = arith.constant false
          %and3A_263 = arith.andi %and3A_258, %and3A_262 : i1
          %ne3A_264 = arith.cmpi ne, %add3A_155, %add3A_165 : i32
          %or3A_265 = arith.constant false
          %or3A_266 = arith.ori %or3A_265, %ne3A_264 : i1
          %or3A_267 = arith.constant false
          %or3A_268 = arith.ori %or3A_266, %or3A_267 : i1
          %not3A_269 = arith.constant true
          %not3A_270 = arith.xori %eq3A_151, %not3A_269 : i1
          %and3A_271 = arith.andi %or3A_268, %not3A_270 : i1
          %convert_element_type3A_272 = arith.extui %and3A_271 : i1 to i32
          %cond3A_273 = arith.constant 0 : i32
          %cond3A_274 = arith.cmpi ne, %convert_element_type3A_272, %cond3A_273 : i32
          scf.if %cond3A_274 {
            "tpu.trace_start"() <{level = 10 : i32, message = "ep_wait_out"}> : () -> ()
            %rem3A_294 = arith.constant 2 : i32
            %rem3A_295 = arith.remui %while3A_146, %rem3A_294 : i32
            %mul3A_296 = arith.constant 128 : i32
            %mul3A_297 = arith.muli %mul3A_296, %add3A_165 : i32
            %dma_wait3A = arith.constant 0 : i32
            %dma_wait3A_298 = arith.constant 0 : i32
            %dma_wait3A_299 = tpu.memref_slice %run_scoped3A_18[%rem3A_295, %dma_wait3A, %dma_wait3A_298] : memref<2x128x128xf32, #tpu.memory_space<vmem>> -> memref<1x128x128xf32, #tpu.memory_space<vmem>>
            %dma_wait3A_300 = tpu.memref_squeeze %dma_wait3A_299 : memref<1x128x128xf32, #tpu.memory_space<vmem>> -> memref<128x128xf32, #tpu.memory_space<vmem>>
            %dma_wait3A_301 = arith.constant 0 : i32
            %dma_wait3A_302 = tpu.memref_slice %arg4[%mul3A_297, %dma_wait3A_301] : memref<3840x128xf32, #tpu.memory_space<hbm>> -> memref<128x128xf32, #tpu.memory_space<hbm>>
            %dma_wait3A_303 = tpu.memref_slice %run_scoped3A_19[%rem3A_295] : memref<2x!tpu.dma_semaphore, #tpu.memory_space<semaphore_mem>> -> memref<1x!tpu.dma_semaphore, #tpu.memory_space<semaphore_mem>>
            %dma_wait3A_304 = tpu.memref_squeeze %dma_wait3A_303 : memref<1x!tpu.dma_semaphore, #tpu.memory_space<semaphore_mem>> -> memref<!tpu.dma_semaphore, #tpu.memory_space<semaphore_mem>>
            %dma_wait3A_305 = arith.constant 0 : i32
            %dma_wait3A_306 = tpu.memref_slice %arg4[%mul3A_297, %dma_wait3A_305] : memref<3840x128xf32, #tpu.memory_space<hbm>> -> memref<128x128xf32, #tpu.memory_space<hbm>>
            %dma_wait3A_307 = arith.constant 0 : i32
            %dma_wait3A_308 = arith.constant 0 : i32
            %dma_wait3A_309 = tpu.memref_slice %run_scoped3A_18[%rem3A_295, %dma_wait3A_307, %dma_wait3A_308] : memref<2x128x128xf32, #tpu.memory_space<vmem>> -> memref<1x128x128xf32, #tpu.memory_space<vmem>>
            %dma_wait3A_310 = tpu.memref_squeeze %dma_wait3A_309 : memref<1x128x128xf32, #tpu.memory_space<vmem>> -> memref<128x128xf32, #tpu.memory_space<vmem>>
            tpu.wait_dma2 semaphore(%dma_wait3A_304 : memref<!tpu.dma_semaphore, #tpu.memory_space<semaphore_mem>>) src(%dma_wait3A_310 : memref<128x128xf32, #tpu.memory_space<vmem>>) dst(%dma_wait3A_306 : memref<128x128xf32, #tpu.memory_space<hbm>>)
            "tpu.trace_stop"() : () -> ()
          } else {
          }
          %and3A_275 = arith.constant true
          %and3A_276 = arith.andi %and3A_271, %and3A_275 : i1
          %add3A_277 = arith.constant 1 : i32
          %add3A_278 = arith.addi %while3A_146, %add3A_277 : i32
          %select_n3A_279 = arith.select %and3A_276, %add3A_278, %while3A_146 : i32
          %ne3A_280 = arith.cmpi ne, %add3A_155, %add3A_173 : i32
          %or3A_281 = arith.constant false
          %or3A_282 = arith.ori %or3A_281, %ne3A_280 : i1
          %or3A_283 = arith.ori %or3A_282, %eq3A_154 : i1
          %add3A_284 = arith.constant 1 : i32
          %add3A_285 = arith.addi %while3A_144, %add3A_284 : i32
          %select_n3A_286 = arith.select %or3A_283, %add3A_285, %while3A_144 : i32
          %add3A_287 = arith.constant 1 : i32
          %add3A_288 = arith.addi %while3A_147, %add3A_287 : i32
          %select_n3A_289 = arith.constant true
          %select_n3A_290 = arith.select %select_n3A_289, %add3A_288, %while3A_147 : i32
          %eq3A_291 = arith.cmpi eq, %select_n3A_290, %select_n3A : i32
          %select_n3A_292 = arith.constant 0 : i32
          %select_n3A_293 = arith.select %eq3A_291, %select_n3A_292, %select_n3A_290 : i32
          scf.yield %select_n3A_195, %select_n3A_286, %select_n3A_252, %select_n3A_279, %select_n3A_293 : i32, i32, i32, i32, i32
        }
        %while3A_89 = arith.constant 1 : i32
        %while3A_90:5 = scf.for %while3A_142 = %while3A_86 to %while3A_82 step %while3A_89 iter_args(%while3A_143 = %while3A_88#0, %while3A_144 = %while3A_88#1, %while3A_145 = %while3A_88#2, %while3A_146 = %while3A_88#3, %while3A_147 = %while3A_88#4) -> (i32, i32, i32, i32, i32)  : i32 {
          %mul3A_148 = arith.constant 1 : i32
          %mul3A_149 = arith.muli %mul3A_148, %select_n3A : i32
          %eq3A_150 = arith.constant 0 : i32
          %eq3A_151 = arith.cmpi eq, %while3A_142, %eq3A_150 : i32
          %sub3A_152 = arith.constant 1 : i32
          %sub3A_153 = arith.subi %mul3A_149, %sub3A_152 : i32
          %eq3A_154 = arith.cmpi eq, %while3A_142, %sub3A_153 : i32
          %add3A_155 = arith.addi %while3A_147, %select_n3A_14 : i32
          %sub3A_156 = arith.constant 1 : i32
          %sub3A_157 = arith.subi %while3A_147, %sub3A_156 : i32
          %select_n3A_158 = arith.constant true
          %select_n3A_159 = arith.select %select_n3A_158, %sub3A_157, %while3A_147 : i32
          %eq3A_160 = arith.constant -1 : i32
          %eq3A_161 = arith.cmpi eq, %select_n3A_159, %eq3A_160 : i32
          %sub3A_162 = arith.constant 1 : i32
          %sub3A_163 = arith.subi %select_n3A, %sub3A_162 : i32
          %select_n3A_164 = arith.select %eq3A_161, %sub3A_163, %select_n3A_159 : i32
          %add3A_165 = arith.addi %select_n3A_164, %select_n3A_14 : i32
          %add3A_166 = arith.constant 1 : i32
          %add3A_167 = arith.addi %while3A_147, %add3A_166 : i32
          %select_n3A_168 = arith.constant true
          %select_n3A_169 = arith.select %select_n3A_168, %add3A_167, %while3A_147 : i32
          %eq3A_170 = arith.cmpi eq, %select_n3A_169, %select_n3A : i32
          %select_n3A_171 = arith.constant 0 : i32
          %select_n3A_172 = arith.select %eq3A_170, %select_n3A_171, %select_n3A_169 : i32
          %add3A_173 = arith.addi %select_n3A_172, %select_n3A_14 : i32
          %add3A_174 = arith.constant 1 : i32
          %add3A_175 = arith.addi %select_n3A_172, %add3A_174 : i32
          %select_n3A_176 = arith.constant true
          %select_n3A_177 = arith.select %select_n3A_176, %add3A_175, %select_n3A_172 : i32
          %eq3A_178 = arith.cmpi eq, %select_n3A_177, %select_n3A : i32
          %select_n3A_179 = arith.constant 0 : i32
          %select_n3A_180 = arith.select %eq3A_178, %select_n3A_179, %select_n3A_177 : i32
          %add3A_181 = arith.addi %select_n3A_180, %select_n3A_14 : i32
          %ne3A = arith.cmpi ne, %add3A_155, %add3A_173 : i32
          %or3A = arith.constant false
          %or3A_182 = arith.ori %or3A, %ne3A : i1
          %sub3A_183 = arith.constant 2 : i32
          %sub3A_184 = arith.subi %mul3A_149, %sub3A_183 : i32
          %add3A_185 = arith.constant 1 : i32
          %add3A_186 = arith.addi %sub3A_184, %add3A_185 : i32
          %ge3A = arith.cmpi sge, %while3A_142, %add3A_186 : i32
          %not3A = arith.constant true
          %not3A_187 = arith.xori %ge3A, %not3A : i1
          %and3A = arith.andi %or3A_182, %not3A_187 : i1
          %convert_element_type3A_188 = arith.extui %and3A : i1 to i32
          %cond3A_189 = arith.constant 0 : i32
          %cond3A_190 = arith.cmpi ne, %convert_element_type3A_188, %cond3A_189 : i32
          scf.if %cond3A_190 {
            "tpu.trace_start"() <{level = 10 : i32, message = "ep_copy_in"}> : () -> ()
            %rem3A_294 = arith.constant 2 : i32
            %rem3A_295 = arith.remui %while3A_143, %rem3A_294 : i32
            %mul3A_296 = arith.constant 128 : i32
            %mul3A_297 = arith.muli %mul3A_296, %add3A_173 : i32
            %dma_start3A_298 = arith.constant 0 : i32
            %dma_start3A_299 = arith.constant 0 : i32
            %dma_start3A_300 = tpu.memref_slice %run_scoped3A[%rem3A_295, %dma_start3A_298, %dma_start3A_299] : memref<2x1x128xi32, #tpu.memory_space<vmem>> -> memref<1x1x128xi32, #tpu.memory_space<vmem>>
            %dma_start3A_301 = tpu.memref_squeeze %dma_start3A_300 : memref<1x1x128xi32, #tpu.memory_space<vmem>> -> memref<1x128xi32, #tpu.memory_space<vmem>>
            %dma_start3A_302 = arith.constant 0 : i32
            %dma_start3A_303 = tpu.memref_slice %arg3[%dma_start3A_302, %mul3A_297] : memref<1x3840xi32, #tpu.memory_space<hbm>> -> memref<1x128xi32, #tpu.memory_space<hbm>>
            %dma_start3A_304 = tpu.memref_slice %run_scoped3A_17[%rem3A_295] : memref<2x!tpu.dma_semaphore, #tpu.memory_space<semaphore_mem>> -> memref<1x!tpu.dma_semaphore, #tpu.memory_space<semaphore_mem>>
            %dma_start3A_305 = tpu.memref_squeeze %dma_start3A_304 : memref<1x!tpu.dma_semaphore, #tpu.memory_space<semaphore_mem>> -> memref<!tpu.dma_semaphore, #tpu.memory_space<semaphore_mem>>
            %dma_start3A_306 = arith.constant 0 : i32
            %dma_start3A_307 = arith.constant 0 : i32
            %dma_start3A_308 = tpu.memref_slice %run_scoped3A[%rem3A_295, %dma_start3A_306, %dma_start3A_307] : memref<2x1x128xi32, #tpu.memory_space<vmem>> -> memref<1x1x128xi32, #tpu.memory_space<vmem>>
            %dma_start3A_309 = tpu.memref_squeeze %dma_start3A_308 : memref<1x1x128xi32, #tpu.memory_space<vmem>> -> memref<1x128xi32, #tpu.memory_space<vmem>>
            %dma_start3A_310 = arith.constant 0 : i32
            %dma_start3A_311 = tpu.memref_slice %arg3[%dma_start3A_310, %mul3A_297] : memref<1x3840xi32, #tpu.memory_space<hbm>> -> memref<1x128xi32, #tpu.memory_space<hbm>>
            tpu.enqueue_dma source(%dma_start3A_311 : memref<1x128xi32, #tpu.memory_space<hbm>>) target(%dma_start3A_309 : memref<1x128xi32, #tpu.memory_space<vmem>>) target_semaphore(%dma_start3A_305 : memref<!tpu.dma_semaphore, #tpu.memory_space<semaphore_mem>>)
            "tpu.trace_stop"() : () -> ()
          } else {
          }
          %and3A_191 = arith.constant true
          %and3A_192 = arith.andi %and3A, %and3A_191 : i1
          %add3A_193 = arith.constant 1 : i32
          %add3A_194 = arith.addi %while3A_143, %add3A_193 : i32
          %select_n3A_195 = arith.select %and3A_192, %add3A_194, %while3A_143 : i32
          %ne3A_196 = arith.cmpi ne, %add3A_155, %add3A_173 : i32
          %or3A_197 = arith.constant false
          %or3A_198 = arith.ori %or3A_197, %ne3A_196 : i1
          %or3A_199 = arith.constant false
          %or3A_200 = arith.ori %or3A_198, %or3A_199 : i1
          %sub3A_201 = arith.constant 2 : i32
          %sub3A_202 = arith.subi %mul3A_149, %sub3A_201 : i32
          %add3A_203 = arith.constant 1 : i32
          %add3A_204 = arith.addi %sub3A_202, %add3A_203 : i32
          %ge3A_205 = arith.cmpi sge, %while3A_142, %add3A_204 : i32
          %not3A_206 = arith.constant true
          %not3A_207 = arith.xori %ge3A_205, %not3A_206 : i1
          %and3A_208 = arith.andi %or3A_200, %not3A_207 : i1
          %ne3A_209 = arith.cmpi ne, %add3A_155, %add3A_165 : i32
          %or3A_210 = arith.constant false
          %or3A_211 = arith.ori %or3A_210, %ne3A_209 : i1
          %or3A_212 = arith.ori %or3A_211, %eq3A_151 : i1
          %convert_element_type3A_213 = arith.extui %or3A_212 : i1 to i32
          %cond3A_214 = arith.constant 0 : i32
          %cond3A_215 = arith.cmpi ne, %convert_element_type3A_213, %cond3A_214 : i32
          scf.if %cond3A_215 {
            "tpu.trace_start"() <{level = 10 : i32, message = "ep_wait_in"}> : () -> ()
            %mul3A_294 = arith.constant 128 : i32
            %mul3A_295 = arith.muli %mul3A_294, %add3A_155 : i32
            %rem3A_296 = arith.constant 2 : i32
            %rem3A_297 = arith.remui %while3A_144, %rem3A_296 : i32
            %dma_wait3A = arith.constant 0 : i32
            %dma_wait3A_298 = arith.constant 0 : i32
            %dma_wait3A_299 = tpu.memref_slice %run_scoped3A[%rem3A_297, %dma_wait3A, %dma_wait3A_298] : memref<2x1x128xi32, #tpu.memory_space<vmem>> -> memref<1x1x128xi32, #tpu.memory_space<vmem>>
            %dma_wait3A_300 = tpu.memref_squeeze %dma_wait3A_299 : memref<1x1x128xi32, #tpu.memory_space<vmem>> -> memref<1x128xi32, #tpu.memory_space<vmem>>
            %dma_wait3A_301 = arith.constant 0 : i32
            %dma_wait3A_302 = tpu.memref_slice %arg3[%dma_wait3A_301, %mul3A_295] : memref<1x3840xi32, #tpu.memory_space<hbm>> -> memref<1x128xi32, #tpu.memory_space<hbm>>
            %dma_wait3A_303 = tpu.memref_slice %run_scoped3A_17[%rem3A_297] : memref<2x!tpu.dma_semaphore, #tpu.memory_space<semaphore_mem>> -> memref<1x!tpu.dma_semaphore, #tpu.memory_space<semaphore_mem>>
            %dma_wait3A_304 = tpu.memref_squeeze %dma_wait3A_303 : memref<1x!tpu.dma_semaphore, #tpu.memory_space<semaphore_mem>> -> memref<!tpu.dma_semaphore, #tpu.memory_space<semaphore_mem>>
            %dma_wait3A_305 = arith.constant 0 : i32
            %dma_wait3A_306 = arith.constant 0 : i32
            %dma_wait3A_307 = tpu.memref_slice %run_scoped3A[%rem3A_297, %dma_wait3A_305, %dma_wait3A_306] : memref<2x1x128xi32, #tpu.memory_space<vmem>> -> memref<1x1x128xi32, #tpu.memory_space<vmem>>
            %dma_wait3A_308 = tpu.memref_squeeze %dma_wait3A_307 : memref<1x1x128xi32, #tpu.memory_space<vmem>> -> memref<1x128xi32, #tpu.memory_space<vmem>>
            %dma_wait3A_309 = arith.constant 0 : i32
            %dma_wait3A_310 = tpu.memref_slice %arg3[%dma_wait3A_309, %mul3A_295] : memref<1x3840xi32, #tpu.memory_space<hbm>> -> memref<1x128xi32, #tpu.memory_space<hbm>>
            tpu.wait_dma2 semaphore(%dma_wait3A_304 : memref<!tpu.dma_semaphore, #tpu.memory_space<semaphore_mem>>) src(%dma_wait3A_310 : memref<1x128xi32, #tpu.memory_space<hbm>>) dst(%dma_wait3A_308 : memref<1x128xi32, #tpu.memory_space<vmem>>)
            "tpu.trace_stop"() : () -> ()
          } else {
          }
          %ne3A_216 = arith.cmpi ne, %add3A_155, %add3A_165 : i32
          %or3A_217 = arith.constant false
          %or3A_218 = arith.ori %or3A_217, %ne3A_216 : i1
          %or3A_219 = arith.constant false
          %or3A_220 = arith.ori %or3A_218, %or3A_219 : i1
          %or3A_221 = arith.ori %or3A_220, %eq3A_151 : i1
          %convert_element_type3A_222 = arith.extui %or3A_221 : i1 to i32
          %cond3A_223 = arith.constant 0 : i32
          %cond3A_224 = arith.cmpi ne, %convert_element_type3A_222, %cond3A_223 : i32
          scf.if %cond3A_224 {
          } else {
          }
          %rem3A_225 = arith.constant 2 : i32
          %rem3A_226 = arith.remui %while3A_144, %rem3A_225 : i32
          %rem3A_227 = arith.constant 2 : i32
          %rem3A_228 = arith.remui %while3A_145, %rem3A_227 : i32
          %run_scoped3A_229 = arith.constant 0 : i32
          "tpu.trace_start"() <{level = 10 : i32, message = "ep_run_kernel"}> : () -> ()
          "tpu.region"() ({
            %run_scoped3A_294 = tpu.sem_alloc : memref<!tpu.dma_semaphore, #tpu.memory_space<semaphore_mem>>
            %dma_start3A_295 = arith.constant 0 : i32
            %dma_start3A_296 = arith.constant 0 : i32
            %dma_start3A_297 = tpu.memref_slice %run_scoped3A_18[%rem3A_228, %dma_start3A_295, %dma_start3A_296] : memref<2x128x128xf32, #tpu.memory_space<vmem>> -> memref<1x128x128xf32, #tpu.memory_space<vmem>>
            %dma_start3A_298 = tpu.memref_squeeze %dma_start3A_297 : memref<1x128x128xf32, #tpu.memory_space<vmem>> -> memref<128x128xf32, #tpu.memory_space<vmem>>
            %dma_start3A_299 = arith.constant 0 : i32
            %dma_start3A_300 = arith.constant 0 : i32
            %dma_start3A_301 = tpu.memref_slice %run_scoped3A[%rem3A_226, %dma_start3A_299, %dma_start3A_300] : memref<2x1x128xi32, #tpu.memory_space<vmem>> -> memref<1x1x128xi32, #tpu.memory_space<vmem>>
            %dma_start3A_302 = tpu.memref_squeeze %dma_start3A_301 : memref<1x1x128xi32, #tpu.memory_space<vmem>> -> memref<1x128xi32, #tpu.memory_space<vmem>>
            %dma_start3A_303 = arith.constant 0 : i32
            %dma_start3A_304 = tpu.memref_slice %dma_start3A_302[%run_scoped3A_229, %dma_start3A_303] : memref<1x128xi32, #tpu.memory_space<vmem>> -> memref<1x128xi32, #tpu.memory_space<vmem>>
            %dma_start3A_305 = tpu.memref_squeeze %dma_start3A_304 : memref<1x128xi32, #tpu.memory_space<vmem>> -> memref<128xi32, #tpu.memory_space<vmem>>
            %dma_start3A_306 = arith.constant 0 : i32
            %dma_start3A_307 = arith.constant 0 : i32
            %dma_start3A_308 = tpu.memref_slice %arg2[%dma_start3A_306, %dma_start3A_307] : memref<40960x128xf32, #tpu.memory_space<hbm>> -> memref<40960x128xf32, #tpu.memory_space<hbm>>
            tpu.enqueue_indirect_dma source(%dma_start3A_308 : memref<40960x128xf32, #tpu.memory_space<hbm>>) target(%dma_start3A_298 : memref<128x128xf32, #tpu.memory_space<vmem>>) offsets(%dma_start3A_305 : memref<128xi32, #tpu.memory_space<vmem>>) semaphore(%run_scoped3A_294 : memref<!tpu.dma_semaphore, #tpu.memory_space<semaphore_mem>>)
            %dma_wait3A = arith.constant 0 : i32
            %dma_wait3A_309 = arith.constant 0 : i32
            %dma_wait3A_310 = tpu.memref_slice %run_scoped3A_18[%rem3A_228, %dma_wait3A, %dma_wait3A_309] : memref<2x128x128xf32, #tpu.memory_space<vmem>> -> memref<1x128x128xf32, #tpu.memory_space<vmem>>
            %dma_wait3A_311 = tpu.memref_squeeze %dma_wait3A_310 : memref<1x128x128xf32, #tpu.memory_space<vmem>> -> memref<128x128xf32, #tpu.memory_space<vmem>>
            %dma_wait3A_312 = arith.constant 0 : i32
            %dma_wait3A_313 = arith.constant 0 : i32
            %dma_wait3A_314 = tpu.memref_slice %run_scoped3A[%rem3A_226, %dma_wait3A_312, %dma_wait3A_313] : memref<2x1x128xi32, #tpu.memory_space<vmem>> -> memref<1x1x128xi32, #tpu.memory_space<vmem>>
            %dma_wait3A_315 = tpu.memref_squeeze %dma_wait3A_314 : memref<1x1x128xi32, #tpu.memory_space<vmem>> -> memref<1x128xi32, #tpu.memory_space<vmem>>
            %dma_wait3A_316 = arith.constant 0 : i32
            %dma_wait3A_317 = tpu.memref_slice %dma_wait3A_315[%run_scoped3A_229, %dma_wait3A_316] : memref<1x128xi32, #tpu.memory_space<vmem>> -> memref<1x128xi32, #tpu.memory_space<vmem>>
            %dma_wait3A_318 = tpu.memref_squeeze %dma_wait3A_317 : memref<1x128xi32, #tpu.memory_space<vmem>> -> memref<128xi32, #tpu.memory_space<vmem>>
            %dma_wait3A_319 = arith.constant 0 : i32
            %dma_wait3A_320 = arith.constant 0 : i32
            %dma_wait3A_321 = tpu.memref_slice %arg2[%dma_wait3A_319, %dma_wait3A_320] : memref<40960x128xf32, #tpu.memory_space<hbm>> -> memref<40960x128xf32, #tpu.memory_space<hbm>>
            tpu.wait_indirect_dma semaphore(%run_scoped3A_294 : memref<!tpu.dma_semaphore, #tpu.memory_space<semaphore_mem>>) src(%dma_wait3A_321 : memref<40960x128xf32, #tpu.memory_space<hbm>>) dst(%dma_wait3A_311 : memref<128x128xf32, #tpu.memory_space<vmem>>)
            tpu.yield
          }) : () -> ()
          "tpu.trace_stop"() : () -> ()
          %ne3A_230 = arith.cmpi ne, %add3A_155, %add3A_173 : i32
          %or3A_231 = arith.constant false
          %or3A_232 = arith.ori %or3A_231, %ne3A_230 : i1
          %or3A_233 = arith.ori %or3A_232, %eq3A_154 : i1
          %convert_element_type3A_234 = arith.extui %or3A_233 : i1 to i32
          %cond3A_235 = arith.constant 0 : i32
          %cond3A_236 = arith.cmpi ne, %convert_element_type3A_234, %cond3A_235 : i32
          scf.if %cond3A_236 {
          } else {
          }
          %and3A_237 = arith.constant false
          %and3A_238 = arith.andi %or3A_233, %and3A_237 : i1
          %ne3A_239 = arith.cmpi ne, %add3A_155, %add3A_173 : i32
          %or3A_240 = arith.constant false
          %or3A_241 = arith.ori %or3A_240, %ne3A_239 : i1
          %or3A_242 = arith.constant false
          %or3A_243 = arith.ori %or3A_241, %or3A_242 : i1
          %or3A_244 = arith.ori %or3A_243, %eq3A_154 : i1
          %convert_element_type3A_245 = arith.extui %or3A_244 : i1 to i32
          %cond3A_246 = arith.constant 0 : i32
          %cond3A_247 = arith.cmpi ne, %convert_element_type3A_245, %cond3A_246 : i32
          scf.if %cond3A_247 {
            "tpu.trace_start"() <{level = 10 : i32, message = "ep_copy_out"}> : () -> ()
            %rem3A_294 = arith.constant 2 : i32
            %rem3A_295 = arith.remui %while3A_145, %rem3A_294 : i32
            %mul3A_296 = arith.constant 128 : i32
            %mul3A_297 = arith.muli %mul3A_296, %add3A_155 : i32
            %dma_start3A_298 = arith.constant 0 : i32
            %dma_start3A_299 = arith.constant 0 : i32
            %dma_start3A_300 = tpu.memref_slice %run_scoped3A_18[%rem3A_295, %dma_start3A_298, %dma_start3A_299] : memref<2x128x128xf32, #tpu.memory_space<vmem>> -> memref<1x128x128xf32, #tpu.memory_space<vmem>>
            %dma_start3A_301 = tpu.memref_squeeze %dma_start3A_300 : memref<1x128x128xf32, #tpu.memory_space<vmem>> -> memref<128x128xf32, #tpu.memory_space<vmem>>
            %dma_start3A_302 = arith.constant 0 : i32
            %dma_start3A_303 = tpu.memref_slice %arg4[%mul3A_297, %dma_start3A_302] : memref<3840x128xf32, #tpu.memory_space<hbm>> -> memref<128x128xf32, #tpu.memory_space<hbm>>
            %dma_start3A_304 = tpu.memref_slice %run_scoped3A_19[%rem3A_295] : memref<2x!tpu.dma_semaphore, #tpu.memory_space<semaphore_mem>> -> memref<1x!tpu.dma_semaphore, #tpu.memory_space<semaphore_mem>>
            %dma_start3A_305 = tpu.memref_squeeze %dma_start3A_304 : memref<1x!tpu.dma_semaphore, #tpu.memory_space<semaphore_mem>> -> memref<!tpu.dma_semaphore, #tpu.memory_space<semaphore_mem>>
            %dma_start3A_306 = arith.constant 0 : i32
            %dma_start3A_307 = tpu.memref_slice %arg4[%mul3A_297, %dma_start3A_306] : memref<3840x128xf32, #tpu.memory_space<hbm>> -> memref<128x128xf32, #tpu.memory_space<hbm>>
            %dma_start3A_308 = arith.constant 0 : i32
            %dma_start3A_309 = arith.constant 0 : i32
            %dma_start3A_310 = tpu.memref_slice %run_scoped3A_18[%rem3A_295, %dma_start3A_308, %dma_start3A_309] : memref<2x128x128xf32, #tpu.memory_space<vmem>> -> memref<1x128x128xf32, #tpu.memory_space<vmem>>
            %dma_start3A_311 = tpu.memref_squeeze %dma_start3A_310 : memref<1x128x128xf32, #tpu.memory_space<vmem>> -> memref<128x128xf32, #tpu.memory_space<vmem>>
            tpu.enqueue_dma source(%dma_start3A_311 : memref<128x128xf32, #tpu.memory_space<vmem>>) target(%dma_start3A_307 : memref<128x128xf32, #tpu.memory_space<hbm>>) target_semaphore(%dma_start3A_305 : memref<!tpu.dma_semaphore, #tpu.memory_space<semaphore_mem>>)
            "tpu.trace_stop"() : () -> ()
          } else {
          }
          %and3A_248 = arith.constant true
          %and3A_249 = arith.andi %or3A_244, %and3A_248 : i1
          %add3A_250 = arith.constant 1 : i32
          %add3A_251 = arith.addi %while3A_145, %add3A_250 : i32
          %select_n3A_252 = arith.select %and3A_249, %add3A_251, %while3A_145 : i32
          %ne3A_253 = arith.cmpi ne, %add3A_155, %add3A_165 : i32
          %or3A_254 = arith.constant false
          %or3A_255 = arith.ori %or3A_254, %ne3A_253 : i1
          %not3A_256 = arith.constant true
          %not3A_257 = arith.xori %eq3A_151, %not3A_256 : i1
          %and3A_258 = arith.andi %or3A_255, %not3A_257 : i1
          %convert_element_type3A_259 = arith.extui %and3A_258 : i1 to i32
          %cond3A_260 = arith.constant 0 : i32
          %cond3A_261 = arith.cmpi ne, %convert_element_type3A_259, %cond3A_260 : i32
          scf.if %cond3A_261 {
          } else {
          }
          %and3A_262 = arith.constant false
          %and3A_263 = arith.andi %and3A_258, %and3A_262 : i1
          %ne3A_264 = arith.cmpi ne, %add3A_155, %add3A_165 : i32
          %or3A_265 = arith.constant false
          %or3A_266 = arith.ori %or3A_265, %ne3A_264 : i1
          %or3A_267 = arith.constant false
          %or3A_268 = arith.ori %or3A_266, %or3A_267 : i1
          %not3A_269 = arith.constant true
          %not3A_270 = arith.xori %eq3A_151, %not3A_269 : i1
          %and3A_271 = arith.andi %or3A_268, %not3A_270 : i1
          %convert_element_type3A_272 = arith.extui %and3A_271 : i1 to i32
          %cond3A_273 = arith.constant 0 : i32
          %cond3A_274 = arith.cmpi ne, %convert_element_type3A_272, %cond3A_273 : i32
          scf.if %cond3A_274 {
            "tpu.trace_start"() <{level = 10 : i32, message = "ep_wait_out"}> : () -> ()
            %rem3A_294 = arith.constant 2 : i32
            %rem3A_295 = arith.remui %while3A_146, %rem3A_294 : i32
            %mul3A_296 = arith.constant 128 : i32
            %mul3A_297 = arith.muli %mul3A_296, %add3A_165 : i32
            %dma_wait3A = arith.constant 0 : i32
            %dma_wait3A_298 = arith.constant 0 : i32
            %dma_wait3A_299 = tpu.memref_slice %run_scoped3A_18[%rem3A_295, %dma_wait3A, %dma_wait3A_298] : memref<2x128x128xf32, #tpu.memory_space<vmem>> -> memref<1x128x128xf32, #tpu.memory_space<vmem>>
            %dma_wait3A_300 = tpu.memref_squeeze %dma_wait3A_299 : memref<1x128x128xf32, #tpu.memory_space<vmem>> -> memref<128x128xf32, #tpu.memory_space<vmem>>
            %dma_wait3A_301 = arith.constant 0 : i32
            %dma_wait3A_302 = tpu.memref_slice %arg4[%mul3A_297, %dma_wait3A_301] : memref<3840x128xf32, #tpu.memory_space<hbm>> -> memref<128x128xf32, #tpu.memory_space<hbm>>
            %dma_wait3A_303 = tpu.memref_slice %run_scoped3A_19[%rem3A_295] : memref<2x!tpu.dma_semaphore, #tpu.memory_space<semaphore_mem>> -> memref<1x!tpu.dma_semaphore, #tpu.memory_space<semaphore_mem>>
            %dma_wait3A_304 = tpu.memref_squeeze %dma_wait3A_303 : memref<1x!tpu.dma_semaphore, #tpu.memory_space<semaphore_mem>> -> memref<!tpu.dma_semaphore, #tpu.memory_space<semaphore_mem>>
            %dma_wait3A_305 = arith.constant 0 : i32
            %dma_wait3A_306 = tpu.memref_slice %arg4[%mul3A_297, %dma_wait3A_305] : memref<3840x128xf32, #tpu.memory_space<hbm>> -> memref<128x128xf32, #tpu.memory_space<hbm>>
            %dma_wait3A_307 = arith.constant 0 : i32
            %dma_wait3A_308 = arith.constant 0 : i32
            %dma_wait3A_309 = tpu.memref_slice %run_scoped3A_18[%rem3A_295, %dma_wait3A_307, %dma_wait3A_308] : memref<2x128x128xf32, #tpu.memory_space<vmem>> -> memref<1x128x128xf32, #tpu.memory_space<vmem>>
            %dma_wait3A_310 = tpu.memref_squeeze %dma_wait3A_309 : memref<1x128x128xf32, #tpu.memory_space<vmem>> -> memref<128x128xf32, #tpu.memory_space<vmem>>
            tpu.wait_dma2 semaphore(%dma_wait3A_304 : memref<!tpu.dma_semaphore, #tpu.memory_space<semaphore_mem>>) src(%dma_wait3A_310 : memref<128x128xf32, #tpu.memory_space<vmem>>) dst(%dma_wait3A_306 : memref<128x128xf32, #tpu.memory_space<hbm>>)
            "tpu.trace_stop"() : () -> ()
          } else {
          }
          %and3A_275 = arith.constant true
          %and3A_276 = arith.andi %and3A_271, %and3A_275 : i1
          %add3A_277 = arith.constant 1 : i32
          %add3A_278 = arith.addi %while3A_146, %add3A_277 : i32
          %select_n3A_279 = arith.select %and3A_276, %add3A_278, %while3A_146 : i32
          %ne3A_280 = arith.cmpi ne, %add3A_155, %add3A_173 : i32
          %or3A_281 = arith.constant false
          %or3A_282 = arith.ori %or3A_281, %ne3A_280 : i1
          %or3A_283 = arith.ori %or3A_282, %eq3A_154 : i1
          %add3A_284 = arith.constant 1 : i32
          %add3A_285 = arith.addi %while3A_144, %add3A_284 : i32
          %select_n3A_286 = arith.select %or3A_283, %add3A_285, %while3A_144 : i32
          %add3A_287 = arith.constant 1 : i32
          %add3A_288 = arith.addi %while3A_147, %add3A_287 : i32
          %select_n3A_289 = arith.constant true
          %select_n3A_290 = arith.select %select_n3A_289, %add3A_288, %while3A_147 : i32
          %eq3A_291 = arith.cmpi eq, %select_n3A_290, %select_n3A : i32
          %select_n3A_292 = arith.constant 0 : i32
          %select_n3A_293 = arith.select %eq3A_291, %select_n3A_292, %select_n3A_290 : i32
          scf.yield %select_n3A_195, %select_n3A_286, %select_n3A_252, %select_n3A_279, %select_n3A_293 : i32, i32, i32, i32, i32
        }
        %sub3A_91 = arith.constant 1 : i32
        %sub3A_92 = arith.subi %while3A_90#4, %sub3A_91 : i32
        %select_n3A_93 = arith.constant true
        %select_n3A_94 = arith.select %select_n3A_93, %sub3A_92, %while3A_90#4 : i32
        %eq3A_95 = arith.constant -1 : i32
        %eq3A_96 = arith.cmpi eq, %select_n3A_94, %eq3A_95 : i32
        %sub3A_97 = arith.constant 1 : i32
        %sub3A_98 = arith.subi %select_n3A, %sub3A_97 : i32
        %select_n3A_99 = arith.select %eq3A_96, %sub3A_98, %select_n3A_94 : i32
        %sub3A_100 = arith.constant 1 : i32
        %sub3A_101 = arith.subi %mul3A_16, %sub3A_100 : i32
        %mul3A_102 = arith.constant 1 : i32
        %mul3A_103 = arith.muli %mul3A_102, %select_n3A : i32
        %eq3A_104 = arith.constant 0 : i32
        %eq3A_105 = arith.cmpi eq, %sub3A_101, %eq3A_104 : i32
        %sub3A_106 = arith.constant 1 : i32
        %sub3A_107 = arith.subi %mul3A_103, %sub3A_106 : i32
        %eq3A_108 = arith.cmpi eq, %sub3A_101, %sub3A_107 : i32
        %add3A_109 = arith.addi %select_n3A_99, %select_n3A_14 : i32
        %sub3A_110 = arith.constant 1 : i32
        %sub3A_111 = arith.subi %select_n3A_99, %sub3A_110 : i32
        %select_n3A_112 = arith.constant true
        %select_n3A_113 = arith.select %select_n3A_112, %sub3A_111, %select_n3A_99 : i32
        %eq3A_114 = arith.constant -1 : i32
        %eq3A_115 = arith.cmpi eq, %select_n3A_113, %eq3A_114 : i32
        %sub3A_116 = arith.constant 1 : i32
        %sub3A_117 = arith.subi %select_n3A, %sub3A_116 : i32
        %select_n3A_118 = arith.select %eq3A_115, %sub3A_117, %select_n3A_113 : i32
        %add3A_119 = arith.addi %select_n3A_118, %select_n3A_14 : i32
        %add3A_120 = arith.constant 1 : i32
        %add3A_121 = arith.addi %select_n3A_99, %add3A_120 : i32
        %select_n3A_122 = arith.constant true
        %select_n3A_123 = arith.select %select_n3A_122, %add3A_121, %select_n3A_99 : i32
        %eq3A_124 = arith.cmpi eq, %select_n3A_123, %select_n3A : i32
        %select_n3A_125 = arith.constant 0 : i32
        %select_n3A_126 = arith.select %eq3A_124, %select_n3A_125, %select_n3A_123 : i32
        %add3A_127 = arith.addi %select_n3A_126, %select_n3A_14 : i32
        %add3A_128 = arith.constant 1 : i32
        %add3A_129 = arith.addi %select_n3A_126, %add3A_128 : i32
        %select_n3A_130 = arith.constant true
        %select_n3A_131 = arith.select %select_n3A_130, %add3A_129, %select_n3A_126 : i32
        %eq3A_132 = arith.cmpi eq, %select_n3A_131, %select_n3A : i32
        %select_n3A_133 = arith.constant 0 : i32
        %select_n3A_134 = arith.select %eq3A_132, %select_n3A_133, %select_n3A_131 : i32
        %add3A_135 = arith.addi %select_n3A_134, %select_n3A_14 : i32
        %convert_element_type3A_136 = arith.extui %eq3A_108 : i1 to i32
        %cond3A_137 = arith.constant 0 : i32
        %cond3A_138 = arith.cmpi ne, %convert_element_type3A_136, %cond3A_137 : i32
        scf.if %cond3A_138 {
        } else {
        }
        %convert_element_type3A_139 = arith.extui %eq3A_108 : i1 to i32
        %cond3A_140 = arith.constant 0 : i32
        %cond3A_141 = arith.cmpi ne, %convert_element_type3A_139, %cond3A_140 : i32
        scf.if %cond3A_141 {
          "tpu.trace_start"() <{level = 10 : i32, message = "ep_finalize"}> : () -> ()
          %rem3A_142 = arith.constant 2 : i32
          %rem3A_143 = arith.remui %while3A_90#3, %rem3A_142 : i32
          %mul3A_144 = arith.constant 128 : i32
          %mul3A_145 = arith.muli %mul3A_144, %add3A_109 : i32
          %dma_wait3A = arith.constant 0 : i32
          %dma_wait3A_146 = arith.constant 0 : i32
          %dma_wait3A_147 = tpu.memref_slice %run_scoped3A_18[%rem3A_143, %dma_wait3A, %dma_wait3A_146] : memref<2x128x128xf32, #tpu.memory_space<vmem>> -> memref<1x128x128xf32, #tpu.memory_space<vmem>>
          %dma_wait3A_148 = tpu.memref_squeeze %dma_wait3A_147 : memref<1x128x128xf32, #tpu.memory_space<vmem>> -> memref<128x128xf32, #tpu.memory_space<vmem>>
          %dma_wait3A_149 = arith.constant 0 : i32
          %dma_wait3A_150 = tpu.memref_slice %arg4[%mul3A_145, %dma_wait3A_149] : memref<3840x128xf32, #tpu.memory_space<hbm>> -> memref<128x128xf32, #tpu.memory_space<hbm>>
          %dma_wait3A_151 = tpu.memref_slice %run_scoped3A_19[%rem3A_143] : memref<2x!tpu.dma_semaphore, #tpu.memory_space<semaphore_mem>> -> memref<1x!tpu.dma_semaphore, #tpu.memory_space<semaphore_mem>>
          %dma_wait3A_152 = tpu.memref_squeeze %dma_wait3A_151 : memref<1x!tpu.dma_semaphore, #tpu.memory_space<semaphore_mem>> -> memref<!tpu.dma_semaphore, #tpu.memory_space<semaphore_mem>>
          %dma_wait3A_153 = arith.constant 0 : i32
          %dma_wait3A_154 = tpu.memref_slice %arg4[%mul3A_145, %dma_wait3A_153] : memref<3840x128xf32, #tpu.memory_space<hbm>> -> memref<128x128xf32, #tpu.memory_space<hbm>>
          %dma_wait3A_155 = arith.constant 0 : i32
          %dma_wait3A_156 = arith.constant 0 : i32
          %dma_wait3A_157 = tpu.memref_slice %run_scoped3A_18[%rem3A_143, %dma_wait3A_155, %dma_wait3A_156] : memref<2x128x128xf32, #tpu.memory_space<vmem>> -> memref<1x128x128xf32, #tpu.memory_space<vmem>>
          %dma_wait3A_158 = tpu.memref_squeeze %dma_wait3A_157 : memref<1x128x128xf32, #tpu.memory_space<vmem>> -> memref<128x128xf32, #tpu.memory_space<vmem>>
          tpu.wait_dma2 semaphore(%dma_wait3A_152 : memref<!tpu.dma_semaphore, #tpu.memory_space<semaphore_mem>>) src(%dma_wait3A_158 : memref<128x128xf32, #tpu.memory_space<vmem>>) dst(%dma_wait3A_154 : memref<128x128xf32, #tpu.memory_space<hbm>>)
          "tpu.trace_stop"() : () -> ()
        } else {
        }
      } else {
      }
      tpu.yield
    }) : () -> ()
    return
  }
}

module attributes {stable_mosaic.version = 14 : i64} {
  func.func @_step_kernel(%arg0: i32, %arg1: memref<1x10x32x2048xf32, #tpu.memory_space<vmem>>, %arg2: memref<2048x512xbf16, #tpu.memory_space<vmem>>, %arg3: memref<2048x512xbf16, #tpu.memory_space<vmem>>, %arg4: memref<2048x512xbf16, #tpu.memory_space<vmem>>, %arg5: memref<512x2048xbf16, #tpu.memory_space<vmem>>, %arg6: memref<2048x512xbf16, #tpu.memory_space<vmem>>, %arg7: memref<1x512xf32, #tpu.memory_space<vmem>>, %arg8: memref<512x128xbf16, #tpu.memory_space<vmem>>, %arg9: memref<1x128xf32, #tpu.memory_space<vmem>>, %arg10: memref<1x128xf32, #tpu.memory_space<vmem>>, %arg11: memref<1x1xf32, #tpu.memory_space<vmem>>, %arg12: memref<1x10x32x4xf32, #tpu.memory_space<vmem>>, %arg13: memref<1x3x10x2048xf32, #tpu.memory_space<vmem>>, %arg14: memref<1x1x32xf32, #tpu.memory_space<vmem>>, %arg15: memref<1x1x128xf32, #tpu.memory_space<vmem>>, %arg16: memref<1x10x32x2048xf32, #tpu.memory_space<vmem>>, %arg17: memref<1x1x32xi32, #tpu.memory_space<vmem>>, %arg18: memref<10x32x2048xf32, #tpu.memory_space<vmem>>, %arg19: memref<8x3xi32, #tpu.memory_space<smem>>) attributes {dimension_semantics = [#tpu.dimension_semantics<arbitrary>], iteration_bounds = array<i64: 16>, scalar_prefetch = 0 : i64, scratch_operands = 2 : i64, tpu.core_type = #tpu.core_type<tc>, window_params = [{transform_indices = @transform_0, window_bounds = array<i64: 1, 10, 32, 2048>}, {pipeline_mode = #tpu.pipeline_mode<synchronous>, transform_indices = @transform_1, window_bounds = array<i64: 2048, 512>}, {pipeline_mode = #tpu.pipeline_mode<synchronous>, transform_indices = @transform_2, window_bounds = array<i64: 2048, 512>}, {pipeline_mode = #tpu.pipeline_mode<synchronous>, transform_indices = @transform_3, window_bounds = array<i64: 2048, 512>}, {pipeline_mode = #tpu.pipeline_mode<synchronous>, transform_indices = @transform_4, window_bounds = array<i64: 512, 2048>}, {pipeline_mode = #tpu.pipeline_mode<synchronous>, transform_indices = @transform_5, window_bounds = array<i64: 2048, 512>}, {pipeline_mode = #tpu.pipeline_mode<synchronous>, transform_indices = @transform_6, window_bounds = array<i64: 1, 512>}, {pipeline_mode = #tpu.pipeline_mode<synchronous>, transform_indices = @transform_7, window_bounds = array<i64: 512, 128>}, {pipeline_mode = #tpu.pipeline_mode<synchronous>, transform_indices = @transform_8, window_bounds = array<i64: 1, 128>}, {pipeline_mode = #tpu.pipeline_mode<synchronous>, transform_indices = @transform_9, window_bounds = array<i64: 1, 128>}, {pipeline_mode = #tpu.pipeline_mode<synchronous>, transform_indices = @transform_10, window_bounds = array<i64: 1, 1>}, {transform_indices = @transform_11, window_bounds = array<i64: 1, 10, 32, 4>}, {transform_indices = @transform_12, window_bounds = array<i64: 1, 3, 10, 2048>}, {transform_indices = @transform_13, window_bounds = array<i64: 1, 1, 32>}, {transform_indices = @transform_14, window_bounds = array<i64: 1, 1, 128>}, {transform_indices = @transform_15, window_bounds = array<i64: 1, 10, 32, 2048>}, {transform_indices = @transform_16, window_bounds = array<i64: 1, 1, 32>}]} {
    %lt3A = arith.constant 8 : i32
    %lt3A_0 = arith.cmpi slt, %arg0, %lt3A : i32
    %get3A = arith.constant 0 : index
    %get3A_1 = arith.constant 0 : index
    %get3A_2 = arith.constant 0 : index
    %get3A_3 = arith.constant 0 : index
    %get3A_4 = vector.load %arg1[%get3A, %get3A_1, %get3A_2, %get3A_3] : memref<1x10x32x2048xf32, #tpu.memory_space<vmem>>, vector<1x10x32x2048xf32>
    %get3A_5 = vector.shape_cast %get3A_4 : vector<1x10x32x2048xf32> to vector<10x32x2048xf32>
    %reshape3A = vector.shape_cast %get3A_5 : vector<10x32x2048xf32> to vector<320x2048xf32>
    %convert_element_type3A = arith.truncf %reshape3A : vector<320x2048xf32> to vector<320x2048xbf16>
    %get3A_6 = arith.constant 0 : index
    %get3A_7 = arith.constant 0 : index
    %get3A_8 = vector.load %arg2[%get3A_6, %get3A_7] : memref<2048x512xbf16, #tpu.memory_space<vmem>>, vector<2048x512xbf16>
    %dot_general3A = arith.constant dense<0.000000e+00> : vector<320x512xf32>
    %dot_general3A_9 = tpu.matmul %convert_element_type3A, %get3A_8, %dot_general3A {dimension_numbers = #tpu.dot_dimension_numbers<[1], [0], [0], [1], [0, 0, 1, 1], [], []>, transpose_lhs_hint = false} : vector<320x2048xbf16>, vector<2048x512xbf16>, vector<320x512xf32> -> vector<320x512xf32>
    %get3A_10 = arith.constant 0 : index
    %get3A_11 = arith.constant 0 : index
    %get3A_12 = vector.load %arg3[%get3A_10, %get3A_11] : memref<2048x512xbf16, #tpu.memory_space<vmem>>, vector<2048x512xbf16>
    %dot_general3A_13 = arith.constant dense<0.000000e+00> : vector<320x512xf32>
    %dot_general3A_14 = tpu.matmul %convert_element_type3A, %get3A_12, %dot_general3A_13 {dimension_numbers = #tpu.dot_dimension_numbers<[1], [0], [0], [1], [0, 0, 1, 1], [], []>, transpose_lhs_hint = false} : vector<320x2048xbf16>, vector<2048x512xbf16>, vector<320x512xf32> -> vector<320x512xf32>
    %get3A_15 = arith.constant 0 : index
    %get3A_16 = arith.constant 0 : index
    %get3A_17 = vector.load %arg4[%get3A_15, %get3A_16] : memref<2048x512xbf16, #tpu.memory_space<vmem>>, vector<2048x512xbf16>
    %dot_general3A_18 = arith.constant dense<0.000000e+00> : vector<320x512xf32>
    %dot_general3A_19 = tpu.matmul %convert_element_type3A, %get3A_17, %dot_general3A_18 {dimension_numbers = #tpu.dot_dimension_numbers<[1], [0], [0], [1], [0, 0, 1, 1], [], []>, transpose_lhs_hint = false} : vector<320x2048xbf16>, vector<2048x512xbf16>, vector<320x512xf32> -> vector<320x512xf32>
    %slice3A = vector.extract_strided_slice %dot_general3A_9 {offsets = [0, 0], sizes = [32, 512], strides = [1, 1]} : vector<320x512xf32> to vector<32x512xf32>
    %slice3A_20 = vector.extract_strided_slice %dot_general3A_14 {offsets = [0, 0], sizes = [32, 512], strides = [1, 1]} : vector<320x512xf32> to vector<32x512xf32>
    %slice3A_21 = vector.extract_strided_slice %dot_general3A_19 {offsets = [0, 0], sizes = [32, 512], strides = [1, 1]} : vector<320x512xf32> to vector<32x512xf32>
    %convert_element_type3A_22 = arith.truncf %slice3A_20 : vector<32x512xf32> to vector<32x512xbf16>
    %transpose3A = tpu.transpose %convert_element_type3A_22, [1, 0] : vector<32x512xbf16> -> vector<512x32xbf16>
    %convert_element_type3A_23 = arith.truncf %slice3A : vector<32x512xf32> to vector<32x512xbf16>
    %dot_general3A_24 = arith.constant dense<0.000000e+00> : vector<32x32xf32>
    %dot_general3A_25 = tpu.matmul %convert_element_type3A_23, %transpose3A, %dot_general3A_24 {dimension_numbers = #tpu.dot_dimension_numbers<[1], [0], [0], [1], [0, 0, 1, 1], [], []>, transpose_lhs_hint = false} : vector<32x512xbf16>, vector<512x32xbf16>, vector<32x32xf32> -> vector<32x32xf32>
    %mul3A = arith.constant 0.0441941731 : f32
    %mul3A_26 = vector.broadcast %mul3A : f32 to vector<32x32xf32>
    %mul3A_27 = arith.mulf %dot_general3A_25, %mul3A_26 : vector<32x32xf32>
    %reduce_max3A = arith.constant dense<0xFF800000> : vector<32xf32>
    %reduce_max3A_28 = vector.multi_reduction <maximumf>, %mul3A_27, %reduce_max3A [1] : vector<32x32xf32> to vector<32xf32>
    %max3A = arith.constant 0xFF800000 : f32
    %max3A_29 = vector.broadcast %max3A : f32 to vector<32xf32>
    %max3A_30 = arith.maximumf %max3A_29, %reduce_max3A_28 : vector<32xf32>
    %broadcast_in_dim3A = vector.shape_cast %max3A_30 : vector<32xf32> to vector<32x1xf32>
    %sub3A = vector.broadcast %broadcast_in_dim3A : vector<32x1xf32> to vector<32x32xf32>
    %sub3A_31 = arith.subf %mul3A_27, %sub3A : vector<32x32xf32>
    %exp3A = math.exp %sub3A_31 : vector<32x32xf32>
    %reduce_sum3A = arith.constant dense<0.000000e+00> : vector<32xf32>
    %reduce_sum3A_32 = vector.multi_reduction <add>, %exp3A, %reduce_sum3A [1] : vector<32x32xf32> to vector<32xf32>
    %broadcast_in_dim3A_33 = vector.shape_cast %reduce_sum3A_32 : vector<32xf32> to vector<32x1xf32>
    %div3A = vector.broadcast %broadcast_in_dim3A_33 : vector<32x1xf32> to vector<32x32xf32>
    %div3A_34 = arith.divf %exp3A, %div3A : vector<32x32xf32>
    %convert_element_type3A_35 = arith.truncf %slice3A_21 : vector<32x512xf32> to vector<32x512xbf16>
    %convert_element_type3A_36 = arith.truncf %div3A_34 : vector<32x32xf32> to vector<32x32xbf16>
    %dot_general3A_37 = arith.constant dense<0.000000e+00> : vector<32x512xf32>
    %dot_general3A_38 = tpu.matmul %convert_element_type3A_36, %convert_element_type3A_35, %dot_general3A_37 {dimension_numbers = #tpu.dot_dimension_numbers<[1], [0], [0], [1], [0, 0, 1, 1], [], []>, transpose_lhs_hint = false} : vector<32x32xbf16>, vector<32x512xbf16>, vector<32x512xf32> -> vector<32x512xf32>
    %slice3A_39 = vector.extract_strided_slice %dot_general3A_9 {offsets = [32, 0], sizes = [32, 512], strides = [1, 1]} : vector<320x512xf32> to vector<32x512xf32>
    %slice3A_40 = vector.extract_strided_slice %dot_general3A_14 {offsets = [32, 0], sizes = [32, 512], strides = [1, 1]} : vector<320x512xf32> to vector<32x512xf32>
    %slice3A_41 = vector.extract_strided_slice %dot_general3A_19 {offsets = [32, 0], sizes = [32, 512], strides = [1, 1]} : vector<320x512xf32> to vector<32x512xf32>
    %convert_element_type3A_42 = arith.truncf %slice3A_40 : vector<32x512xf32> to vector<32x512xbf16>
    %transpose3A_43 = tpu.transpose %convert_element_type3A_42, [1, 0] : vector<32x512xbf16> -> vector<512x32xbf16>
    %convert_element_type3A_44 = arith.truncf %slice3A_39 : vector<32x512xf32> to vector<32x512xbf16>
    %dot_general3A_45 = arith.constant dense<0.000000e+00> : vector<32x32xf32>
    %dot_general3A_46 = tpu.matmul %convert_element_type3A_44, %transpose3A_43, %dot_general3A_45 {dimension_numbers = #tpu.dot_dimension_numbers<[1], [0], [0], [1], [0, 0, 1, 1], [], []>, transpose_lhs_hint = false} : vector<32x512xbf16>, vector<512x32xbf16>, vector<32x32xf32> -> vector<32x32xf32>
    %mul3A_47 = arith.constant 0.0441941731 : f32
    %mul3A_48 = vector.broadcast %mul3A_47 : f32 to vector<32x32xf32>
    %mul3A_49 = arith.mulf %dot_general3A_46, %mul3A_48 : vector<32x32xf32>
    %reduce_max3A_50 = arith.constant dense<0xFF800000> : vector<32xf32>
    %reduce_max3A_51 = vector.multi_reduction <maximumf>, %mul3A_49, %reduce_max3A_50 [1] : vector<32x32xf32> to vector<32xf32>
    %max3A_52 = arith.constant 0xFF800000 : f32
    %max3A_53 = vector.broadcast %max3A_52 : f32 to vector<32xf32>
    %max3A_54 = arith.maximumf %max3A_53, %reduce_max3A_51 : vector<32xf32>
    %broadcast_in_dim3A_55 = vector.shape_cast %max3A_54 : vector<32xf32> to vector<32x1xf32>
    %sub3A_56 = vector.broadcast %broadcast_in_dim3A_55 : vector<32x1xf32> to vector<32x32xf32>
    %sub3A_57 = arith.subf %mul3A_49, %sub3A_56 : vector<32x32xf32>
    %exp3A_58 = math.exp %sub3A_57 : vector<32x32xf32>
    %reduce_sum3A_59 = arith.constant dense<0.000000e+00> : vector<32xf32>
    %reduce_sum3A_60 = vector.multi_reduction <add>, %exp3A_58, %reduce_sum3A_59 [1] : vector<32x32xf32> to vector<32xf32>
    %broadcast_in_dim3A_61 = vector.shape_cast %reduce_sum3A_60 : vector<32xf32> to vector<32x1xf32>
    %div3A_62 = vector.broadcast %broadcast_in_dim3A_61 : vector<32x1xf32> to vector<32x32xf32>
    %div3A_63 = arith.divf %exp3A_58, %div3A_62 : vector<32x32xf32>
    %convert_element_type3A_64 = arith.truncf %slice3A_41 : vector<32x512xf32> to vector<32x512xbf16>
    %convert_element_type3A_65 = arith.truncf %div3A_63 : vector<32x32xf32> to vector<32x32xbf16>
    %dot_general3A_66 = arith.constant dense<0.000000e+00> : vector<32x512xf32>
    %dot_general3A_67 = tpu.matmul %convert_element_type3A_65, %convert_element_type3A_64, %dot_general3A_66 {dimension_numbers = #tpu.dot_dimension_numbers<[1], [0], [0], [1], [0, 0, 1, 1], [], []>, transpose_lhs_hint = false} : vector<32x32xbf16>, vector<32x512xbf16>, vector<32x512xf32> -> vector<32x512xf32>
    %slice3A_68 = vector.extract_strided_slice %dot_general3A_9 {offsets = [64, 0], sizes = [32, 512], strides = [1, 1]} : vector<320x512xf32> to vector<32x512xf32>
    %slice3A_69 = vector.extract_strided_slice %dot_general3A_14 {offsets = [64, 0], sizes = [32, 512], strides = [1, 1]} : vector<320x512xf32> to vector<32x512xf32>
    %slice3A_70 = vector.extract_strided_slice %dot_general3A_19 {offsets = [64, 0], sizes = [32, 512], strides = [1, 1]} : vector<320x512xf32> to vector<32x512xf32>
    %convert_element_type3A_71 = arith.truncf %slice3A_69 : vector<32x512xf32> to vector<32x512xbf16>
    %transpose3A_72 = tpu.transpose %convert_element_type3A_71, [1, 0] : vector<32x512xbf16> -> vector<512x32xbf16>
    %convert_element_type3A_73 = arith.truncf %slice3A_68 : vector<32x512xf32> to vector<32x512xbf16>
    %dot_general3A_74 = arith.constant dense<0.000000e+00> : vector<32x32xf32>
    %dot_general3A_75 = tpu.matmul %convert_element_type3A_73, %transpose3A_72, %dot_general3A_74 {dimension_numbers = #tpu.dot_dimension_numbers<[1], [0], [0], [1], [0, 0, 1, 1], [], []>, transpose_lhs_hint = false} : vector<32x512xbf16>, vector<512x32xbf16>, vector<32x32xf32> -> vector<32x32xf32>
    %mul3A_76 = arith.constant 0.0441941731 : f32
    %mul3A_77 = vector.broadcast %mul3A_76 : f32 to vector<32x32xf32>
    %mul3A_78 = arith.mulf %dot_general3A_75, %mul3A_77 : vector<32x32xf32>
    %reduce_max3A_79 = arith.constant dense<0xFF800000> : vector<32xf32>
    %reduce_max3A_80 = vector.multi_reduction <maximumf>, %mul3A_78, %reduce_max3A_79 [1] : vector<32x32xf32> to vector<32xf32>
    %max3A_81 = arith.constant 0xFF800000 : f32
    %max3A_82 = vector.broadcast %max3A_81 : f32 to vector<32xf32>
    %max3A_83 = arith.maximumf %max3A_82, %reduce_max3A_80 : vector<32xf32>
    %broadcast_in_dim3A_84 = vector.shape_cast %max3A_83 : vector<32xf32> to vector<32x1xf32>
    %sub3A_85 = vector.broadcast %broadcast_in_dim3A_84 : vector<32x1xf32> to vector<32x32xf32>
    %sub3A_86 = arith.subf %mul3A_78, %sub3A_85 : vector<32x32xf32>
    %exp3A_87 = math.exp %sub3A_86 : vector<32x32xf32>
    %reduce_sum3A_88 = arith.constant dense<0.000000e+00> : vector<32xf32>
    %reduce_sum3A_89 = vector.multi_reduction <add>, %exp3A_87, %reduce_sum3A_88 [1] : vector<32x32xf32> to vector<32xf32>
    %broadcast_in_dim3A_90 = vector.shape_cast %reduce_sum3A_89 : vector<32xf32> to vector<32x1xf32>
    %div3A_91 = vector.broadcast %broadcast_in_dim3A_90 : vector<32x1xf32> to vector<32x32xf32>
    %div3A_92 = arith.divf %exp3A_87, %div3A_91 : vector<32x32xf32>
    %convert_element_type3A_93 = arith.truncf %slice3A_70 : vector<32x512xf32> to vector<32x512xbf16>
    %convert_element_type3A_94 = arith.truncf %div3A_92 : vector<32x32xf32> to vector<32x32xbf16>
    %dot_general3A_95 = arith.constant dense<0.000000e+00> : vector<32x512xf32>
    %dot_general3A_96 = tpu.matmul %convert_element_type3A_94, %convert_element_type3A_93, %dot_general3A_95 {dimension_numbers = #tpu.dot_dimension_numbers<[1], [0], [0], [1], [0, 0, 1, 1], [], []>, transpose_lhs_hint = false} : vector<32x32xbf16>, vector<32x512xbf16>, vector<32x512xf32> -> vector<32x512xf32>
    %slice3A_97 = vector.extract_strided_slice %dot_general3A_9 {offsets = [96, 0], sizes = [32, 512], strides = [1, 1]} : vector<320x512xf32> to vector<32x512xf32>
    %slice3A_98 = vector.extract_strided_slice %dot_general3A_14 {offsets = [96, 0], sizes = [32, 512], strides = [1, 1]} : vector<320x512xf32> to vector<32x512xf32>
    %slice3A_99 = vector.extract_strided_slice %dot_general3A_19 {offsets = [96, 0], sizes = [32, 512], strides = [1, 1]} : vector<320x512xf32> to vector<32x512xf32>
    %convert_element_type3A_100 = arith.truncf %slice3A_98 : vector<32x512xf32> to vector<32x512xbf16>
    %transpose3A_101 = tpu.transpose %convert_element_type3A_100, [1, 0] : vector<32x512xbf16> -> vector<512x32xbf16>
    %convert_element_type3A_102 = arith.truncf %slice3A_97 : vector<32x512xf32> to vector<32x512xbf16>
    %dot_general3A_103 = arith.constant dense<0.000000e+00> : vector<32x32xf32>
    %dot_general3A_104 = tpu.matmul %convert_element_type3A_102, %transpose3A_101, %dot_general3A_103 {dimension_numbers = #tpu.dot_dimension_numbers<[1], [0], [0], [1], [0, 0, 1, 1], [], []>, transpose_lhs_hint = false} : vector<32x512xbf16>, vector<512x32xbf16>, vector<32x32xf32> -> vector<32x32xf32>
    %mul3A_105 = arith.constant 0.0441941731 : f32
    %mul3A_106 = vector.broadcast %mul3A_105 : f32 to vector<32x32xf32>
    %mul3A_107 = arith.mulf %dot_general3A_104, %mul3A_106 : vector<32x32xf32>
    %reduce_max3A_108 = arith.constant dense<0xFF800000> : vector<32xf32>
    %reduce_max3A_109 = vector.multi_reduction <maximumf>, %mul3A_107, %reduce_max3A_108 [1] : vector<32x32xf32> to vector<32xf32>
    %max3A_110 = arith.constant 0xFF800000 : f32
    %max3A_111 = vector.broadcast %max3A_110 : f32 to vector<32xf32>
    %max3A_112 = arith.maximumf %max3A_111, %reduce_max3A_109 : vector<32xf32>
    %broadcast_in_dim3A_113 = vector.shape_cast %max3A_112 : vector<32xf32> to vector<32x1xf32>
    %sub3A_114 = vector.broadcast %broadcast_in_dim3A_113 : vector<32x1xf32> to vector<32x32xf32>
    %sub3A_115 = arith.subf %mul3A_107, %sub3A_114 : vector<32x32xf32>
    %exp3A_116 = math.exp %sub3A_115 : vector<32x32xf32>
    %reduce_sum3A_117 = arith.constant dense<0.000000e+00> : vector<32xf32>
    %reduce_sum3A_118 = vector.multi_reduction <add>, %exp3A_116, %reduce_sum3A_117 [1] : vector<32x32xf32> to vector<32xf32>
    %broadcast_in_dim3A_119 = vector.shape_cast %reduce_sum3A_118 : vector<32xf32> to vector<32x1xf32>
    %div3A_120 = vector.broadcast %broadcast_in_dim3A_119 : vector<32x1xf32> to vector<32x32xf32>
    %div3A_121 = arith.divf %exp3A_116, %div3A_120 : vector<32x32xf32>
    %convert_element_type3A_122 = arith.truncf %slice3A_99 : vector<32x512xf32> to vector<32x512xbf16>
    %convert_element_type3A_123 = arith.truncf %div3A_121 : vector<32x32xf32> to vector<32x32xbf16>
    %dot_general3A_124 = arith.constant dense<0.000000e+00> : vector<32x512xf32>
    %dot_general3A_125 = tpu.matmul %convert_element_type3A_123, %convert_element_type3A_122, %dot_general3A_124 {dimension_numbers = #tpu.dot_dimension_numbers<[1], [0], [0], [1], [0, 0, 1, 1], [], []>, transpose_lhs_hint = false} : vector<32x32xbf16>, vector<32x512xbf16>, vector<32x512xf32> -> vector<32x512xf32>
    %slice3A_126 = vector.extract_strided_slice %dot_general3A_9 {offsets = [128, 0], sizes = [32, 512], strides = [1, 1]} : vector<320x512xf32> to vector<32x512xf32>
    %slice3A_127 = vector.extract_strided_slice %dot_general3A_14 {offsets = [128, 0], sizes = [32, 512], strides = [1, 1]} : vector<320x512xf32> to vector<32x512xf32>
    %slice3A_128 = vector.extract_strided_slice %dot_general3A_19 {offsets = [128, 0], sizes = [32, 512], strides = [1, 1]} : vector<320x512xf32> to vector<32x512xf32>
    %convert_element_type3A_129 = arith.truncf %slice3A_127 : vector<32x512xf32> to vector<32x512xbf16>
    %transpose3A_130 = tpu.transpose %convert_element_type3A_129, [1, 0] : vector<32x512xbf16> -> vector<512x32xbf16>
    %convert_element_type3A_131 = arith.truncf %slice3A_126 : vector<32x512xf32> to vector<32x512xbf16>
    %dot_general3A_132 = arith.constant dense<0.000000e+00> : vector<32x32xf32>
    %dot_general3A_133 = tpu.matmul %convert_element_type3A_131, %transpose3A_130, %dot_general3A_132 {dimension_numbers = #tpu.dot_dimension_numbers<[1], [0], [0], [1], [0, 0, 1, 1], [], []>, transpose_lhs_hint = false} : vector<32x512xbf16>, vector<512x32xbf16>, vector<32x32xf32> -> vector<32x32xf32>
    %mul3A_134 = arith.constant 0.0441941731 : f32
    %mul3A_135 = vector.broadcast %mul3A_134 : f32 to vector<32x32xf32>
    %mul3A_136 = arith.mulf %dot_general3A_133, %mul3A_135 : vector<32x32xf32>
    %reduce_max3A_137 = arith.constant dense<0xFF800000> : vector<32xf32>
    %reduce_max3A_138 = vector.multi_reduction <maximumf>, %mul3A_136, %reduce_max3A_137 [1] : vector<32x32xf32> to vector<32xf32>
    %max3A_139 = arith.constant 0xFF800000 : f32
    %max3A_140 = vector.broadcast %max3A_139 : f32 to vector<32xf32>
    %max3A_141 = arith.maximumf %max3A_140, %reduce_max3A_138 : vector<32xf32>
    %broadcast_in_dim3A_142 = vector.shape_cast %max3A_141 : vector<32xf32> to vector<32x1xf32>
    %sub3A_143 = vector.broadcast %broadcast_in_dim3A_142 : vector<32x1xf32> to vector<32x32xf32>
    %sub3A_144 = arith.subf %mul3A_136, %sub3A_143 : vector<32x32xf32>
    %exp3A_145 = math.exp %sub3A_144 : vector<32x32xf32>
    %reduce_sum3A_146 = arith.constant dense<0.000000e+00> : vector<32xf32>
    %reduce_sum3A_147 = vector.multi_reduction <add>, %exp3A_145, %reduce_sum3A_146 [1] : vector<32x32xf32> to vector<32xf32>
    %broadcast_in_dim3A_148 = vector.shape_cast %reduce_sum3A_147 : vector<32xf32> to vector<32x1xf32>
    %div3A_149 = vector.broadcast %broadcast_in_dim3A_148 : vector<32x1xf32> to vector<32x32xf32>
    %div3A_150 = arith.divf %exp3A_145, %div3A_149 : vector<32x32xf32>
    %convert_element_type3A_151 = arith.truncf %slice3A_128 : vector<32x512xf32> to vector<32x512xbf16>
    %convert_element_type3A_152 = arith.truncf %div3A_150 : vector<32x32xf32> to vector<32x32xbf16>
    %dot_general3A_153 = arith.constant dense<0.000000e+00> : vector<32x512xf32>
    %dot_general3A_154 = tpu.matmul %convert_element_type3A_152, %convert_element_type3A_151, %dot_general3A_153 {dimension_numbers = #tpu.dot_dimension_numbers<[1], [0], [0], [1], [0, 0, 1, 1], [], []>, transpose_lhs_hint = false} : vector<32x32xbf16>, vector<32x512xbf16>, vector<32x512xf32> -> vector<32x512xf32>
    %slice3A_155 = vector.extract_strided_slice %dot_general3A_9 {offsets = [160, 0], sizes = [32, 512], strides = [1, 1]} : vector<320x512xf32> to vector<32x512xf32>
    %slice3A_156 = vector.extract_strided_slice %dot_general3A_14 {offsets = [160, 0], sizes = [32, 512], strides = [1, 1]} : vector<320x512xf32> to vector<32x512xf32>
    %slice3A_157 = vector.extract_strided_slice %dot_general3A_19 {offsets = [160, 0], sizes = [32, 512], strides = [1, 1]} : vector<320x512xf32> to vector<32x512xf32>
    %convert_element_type3A_158 = arith.truncf %slice3A_156 : vector<32x512xf32> to vector<32x512xbf16>
    %transpose3A_159 = tpu.transpose %convert_element_type3A_158, [1, 0] : vector<32x512xbf16> -> vector<512x32xbf16>
    %convert_element_type3A_160 = arith.truncf %slice3A_155 : vector<32x512xf32> to vector<32x512xbf16>
    %dot_general3A_161 = arith.constant dense<0.000000e+00> : vector<32x32xf32>
    %dot_general3A_162 = tpu.matmul %convert_element_type3A_160, %transpose3A_159, %dot_general3A_161 {dimension_numbers = #tpu.dot_dimension_numbers<[1], [0], [0], [1], [0, 0, 1, 1], [], []>, transpose_lhs_hint = false} : vector<32x512xbf16>, vector<512x32xbf16>, vector<32x32xf32> -> vector<32x32xf32>
    %mul3A_163 = arith.constant 0.0441941731 : f32
    %mul3A_164 = vector.broadcast %mul3A_163 : f32 to vector<32x32xf32>
    %mul3A_165 = arith.mulf %dot_general3A_162, %mul3A_164 : vector<32x32xf32>
    %reduce_max3A_166 = arith.constant dense<0xFF800000> : vector<32xf32>
    %reduce_max3A_167 = vector.multi_reduction <maximumf>, %mul3A_165, %reduce_max3A_166 [1] : vector<32x32xf32> to vector<32xf32>
    %max3A_168 = arith.constant 0xFF800000 : f32
    %max3A_169 = vector.broadcast %max3A_168 : f32 to vector<32xf32>
    %max3A_170 = arith.maximumf %max3A_169, %reduce_max3A_167 : vector<32xf32>
    %broadcast_in_dim3A_171 = vector.shape_cast %max3A_170 : vector<32xf32> to vector<32x1xf32>
    %sub3A_172 = vector.broadcast %broadcast_in_dim3A_171 : vector<32x1xf32> to vector<32x32xf32>
    %sub3A_173 = arith.subf %mul3A_165, %sub3A_172 : vector<32x32xf32>
    %exp3A_174 = math.exp %sub3A_173 : vector<32x32xf32>
    %reduce_sum3A_175 = arith.constant dense<0.000000e+00> : vector<32xf32>
    %reduce_sum3A_176 = vector.multi_reduction <add>, %exp3A_174, %reduce_sum3A_175 [1] : vector<32x32xf32> to vector<32xf32>
    %broadcast_in_dim3A_177 = vector.shape_cast %reduce_sum3A_176 : vector<32xf32> to vector<32x1xf32>
    %div3A_178 = vector.broadcast %broadcast_in_dim3A_177 : vector<32x1xf32> to vector<32x32xf32>
    %div3A_179 = arith.divf %exp3A_174, %div3A_178 : vector<32x32xf32>
    %convert_element_type3A_180 = arith.truncf %slice3A_157 : vector<32x512xf32> to vector<32x512xbf16>
    %convert_element_type3A_181 = arith.truncf %div3A_179 : vector<32x32xf32> to vector<32x32xbf16>
    %dot_general3A_182 = arith.constant dense<0.000000e+00> : vector<32x512xf32>
    %dot_general3A_183 = tpu.matmul %convert_element_type3A_181, %convert_element_type3A_180, %dot_general3A_182 {dimension_numbers = #tpu.dot_dimension_numbers<[1], [0], [0], [1], [0, 0, 1, 1], [], []>, transpose_lhs_hint = false} : vector<32x32xbf16>, vector<32x512xbf16>, vector<32x512xf32> -> vector<32x512xf32>
    %slice3A_184 = vector.extract_strided_slice %dot_general3A_9 {offsets = [192, 0], sizes = [32, 512], strides = [1, 1]} : vector<320x512xf32> to vector<32x512xf32>
    %slice3A_185 = vector.extract_strided_slice %dot_general3A_14 {offsets = [192, 0], sizes = [32, 512], strides = [1, 1]} : vector<320x512xf32> to vector<32x512xf32>
    %slice3A_186 = vector.extract_strided_slice %dot_general3A_19 {offsets = [192, 0], sizes = [32, 512], strides = [1, 1]} : vector<320x512xf32> to vector<32x512xf32>
    %convert_element_type3A_187 = arith.truncf %slice3A_185 : vector<32x512xf32> to vector<32x512xbf16>
    %transpose3A_188 = tpu.transpose %convert_element_type3A_187, [1, 0] : vector<32x512xbf16> -> vector<512x32xbf16>
    %convert_element_type3A_189 = arith.truncf %slice3A_184 : vector<32x512xf32> to vector<32x512xbf16>
    %dot_general3A_190 = arith.constant dense<0.000000e+00> : vector<32x32xf32>
    %dot_general3A_191 = tpu.matmul %convert_element_type3A_189, %transpose3A_188, %dot_general3A_190 {dimension_numbers = #tpu.dot_dimension_numbers<[1], [0], [0], [1], [0, 0, 1, 1], [], []>, transpose_lhs_hint = false} : vector<32x512xbf16>, vector<512x32xbf16>, vector<32x32xf32> -> vector<32x32xf32>
    %mul3A_192 = arith.constant 0.0441941731 : f32
    %mul3A_193 = vector.broadcast %mul3A_192 : f32 to vector<32x32xf32>
    %mul3A_194 = arith.mulf %dot_general3A_191, %mul3A_193 : vector<32x32xf32>
    %reduce_max3A_195 = arith.constant dense<0xFF800000> : vector<32xf32>
    %reduce_max3A_196 = vector.multi_reduction <maximumf>, %mul3A_194, %reduce_max3A_195 [1] : vector<32x32xf32> to vector<32xf32>
    %max3A_197 = arith.constant 0xFF800000 : f32
    %max3A_198 = vector.broadcast %max3A_197 : f32 to vector<32xf32>
    %max3A_199 = arith.maximumf %max3A_198, %reduce_max3A_196 : vector<32xf32>
    %broadcast_in_dim3A_200 = vector.shape_cast %max3A_199 : vector<32xf32> to vector<32x1xf32>
    %sub3A_201 = vector.broadcast %broadcast_in_dim3A_200 : vector<32x1xf32> to vector<32x32xf32>
    %sub3A_202 = arith.subf %mul3A_194, %sub3A_201 : vector<32x32xf32>
    %exp3A_203 = math.exp %sub3A_202 : vector<32x32xf32>
    %reduce_sum3A_204 = arith.constant dense<0.000000e+00> : vector<32xf32>
    %reduce_sum3A_205 = vector.multi_reduction <add>, %exp3A_203, %reduce_sum3A_204 [1] : vector<32x32xf32> to vector<32xf32>
    %broadcast_in_dim3A_206 = vector.shape_cast %reduce_sum3A_205 : vector<32xf32> to vector<32x1xf32>
    %div3A_207 = vector.broadcast %broadcast_in_dim3A_206 : vector<32x1xf32> to vector<32x32xf32>
    %div3A_208 = arith.divf %exp3A_203, %div3A_207 : vector<32x32xf32>
    %convert_element_type3A_209 = arith.truncf %slice3A_186 : vector<32x512xf32> to vector<32x512xbf16>
    %convert_element_type3A_210 = arith.truncf %div3A_208 : vector<32x32xf32> to vector<32x32xbf16>
    %dot_general3A_211 = arith.constant dense<0.000000e+00> : vector<32x512xf32>
    %dot_general3A_212 = tpu.matmul %convert_element_type3A_210, %convert_element_type3A_209, %dot_general3A_211 {dimension_numbers = #tpu.dot_dimension_numbers<[1], [0], [0], [1], [0, 0, 1, 1], [], []>, transpose_lhs_hint = false} : vector<32x32xbf16>, vector<32x512xbf16>, vector<32x512xf32> -> vector<32x512xf32>
    %slice3A_213 = vector.extract_strided_slice %dot_general3A_9 {offsets = [224, 0], sizes = [32, 512], strides = [1, 1]} : vector<320x512xf32> to vector<32x512xf32>
    %slice3A_214 = vector.extract_strided_slice %dot_general3A_14 {offsets = [224, 0], sizes = [32, 512], strides = [1, 1]} : vector<320x512xf32> to vector<32x512xf32>
    %slice3A_215 = vector.extract_strided_slice %dot_general3A_19 {offsets = [224, 0], sizes = [32, 512], strides = [1, 1]} : vector<320x512xf32> to vector<32x512xf32>
    %convert_element_type3A_216 = arith.truncf %slice3A_214 : vector<32x512xf32> to vector<32x512xbf16>
    %transpose3A_217 = tpu.transpose %convert_element_type3A_216, [1, 0] : vector<32x512xbf16> -> vector<512x32xbf16>
    %convert_element_type3A_218 = arith.truncf %slice3A_213 : vector<32x512xf32> to vector<32x512xbf16>
    %dot_general3A_219 = arith.constant dense<0.000000e+00> : vector<32x32xf32>
    %dot_general3A_220 = tpu.matmul %convert_element_type3A_218, %transpose3A_217, %dot_general3A_219 {dimension_numbers = #tpu.dot_dimension_numbers<[1], [0], [0], [1], [0, 0, 1, 1], [], []>, transpose_lhs_hint = false} : vector<32x512xbf16>, vector<512x32xbf16>, vector<32x32xf32> -> vector<32x32xf32>
    %mul3A_221 = arith.constant 0.0441941731 : f32
    %mul3A_222 = vector.broadcast %mul3A_221 : f32 to vector<32x32xf32>
    %mul3A_223 = arith.mulf %dot_general3A_220, %mul3A_222 : vector<32x32xf32>
    %reduce_max3A_224 = arith.constant dense<0xFF800000> : vector<32xf32>
    %reduce_max3A_225 = vector.multi_reduction <maximumf>, %mul3A_223, %reduce_max3A_224 [1] : vector<32x32xf32> to vector<32xf32>
    %max3A_226 = arith.constant 0xFF800000 : f32
    %max3A_227 = vector.broadcast %max3A_226 : f32 to vector<32xf32>
    %max3A_228 = arith.maximumf %max3A_227, %reduce_max3A_225 : vector<32xf32>
    %broadcast_in_dim3A_229 = vector.shape_cast %max3A_228 : vector<32xf32> to vector<32x1xf32>
    %sub3A_230 = vector.broadcast %broadcast_in_dim3A_229 : vector<32x1xf32> to vector<32x32xf32>
    %sub3A_231 = arith.subf %mul3A_223, %sub3A_230 : vector<32x32xf32>
    %exp3A_232 = math.exp %sub3A_231 : vector<32x32xf32>
    %reduce_sum3A_233 = arith.constant dense<0.000000e+00> : vector<32xf32>
    %reduce_sum3A_234 = vector.multi_reduction <add>, %exp3A_232, %reduce_sum3A_233 [1] : vector<32x32xf32> to vector<32xf32>
    %broadcast_in_dim3A_235 = vector.shape_cast %reduce_sum3A_234 : vector<32xf32> to vector<32x1xf32>
    %div3A_236 = vector.broadcast %broadcast_in_dim3A_235 : vector<32x1xf32> to vector<32x32xf32>
    %div3A_237 = arith.divf %exp3A_232, %div3A_236 : vector<32x32xf32>
    %convert_element_type3A_238 = arith.truncf %slice3A_215 : vector<32x512xf32> to vector<32x512xbf16>
    %convert_element_type3A_239 = arith.truncf %div3A_237 : vector<32x32xf32> to vector<32x32xbf16>
    %dot_general3A_240 = arith.constant dense<0.000000e+00> : vector<32x512xf32>
    %dot_general3A_241 = tpu.matmul %convert_element_type3A_239, %convert_element_type3A_238, %dot_general3A_240 {dimension_numbers = #tpu.dot_dimension_numbers<[1], [0], [0], [1], [0, 0, 1, 1], [], []>, transpose_lhs_hint = false} : vector<32x32xbf16>, vector<32x512xbf16>, vector<32x512xf32> -> vector<32x512xf32>
    %slice3A_242 = vector.extract_strided_slice %dot_general3A_9 {offsets = [256, 0], sizes = [32, 512], strides = [1, 1]} : vector<320x512xf32> to vector<32x512xf32>
    %slice3A_243 = vector.extract_strided_slice %dot_general3A_14 {offsets = [256, 0], sizes = [32, 512], strides = [1, 1]} : vector<320x512xf32> to vector<32x512xf32>
    %slice3A_244 = vector.extract_strided_slice %dot_general3A_19 {offsets = [256, 0], sizes = [32, 512], strides = [1, 1]} : vector<320x512xf32> to vector<32x512xf32>
    %convert_element_type3A_245 = arith.truncf %slice3A_243 : vector<32x512xf32> to vector<32x512xbf16>
    %transpose3A_246 = tpu.transpose %convert_element_type3A_245, [1, 0] : vector<32x512xbf16> -> vector<512x32xbf16>
    %convert_element_type3A_247 = arith.truncf %slice3A_242 : vector<32x512xf32> to vector<32x512xbf16>
    %dot_general3A_248 = arith.constant dense<0.000000e+00> : vector<32x32xf32>
    %dot_general3A_249 = tpu.matmul %convert_element_type3A_247, %transpose3A_246, %dot_general3A_248 {dimension_numbers = #tpu.dot_dimension_numbers<[1], [0], [0], [1], [0, 0, 1, 1], [], []>, transpose_lhs_hint = false} : vector<32x512xbf16>, vector<512x32xbf16>, vector<32x32xf32> -> vector<32x32xf32>
    %mul3A_250 = arith.constant 0.0441941731 : f32
    %mul3A_251 = vector.broadcast %mul3A_250 : f32 to vector<32x32xf32>
    %mul3A_252 = arith.mulf %dot_general3A_249, %mul3A_251 : vector<32x32xf32>
    %reduce_max3A_253 = arith.constant dense<0xFF800000> : vector<32xf32>
    %reduce_max3A_254 = vector.multi_reduction <maximumf>, %mul3A_252, %reduce_max3A_253 [1] : vector<32x32xf32> to vector<32xf32>
    %max3A_255 = arith.constant 0xFF800000 : f32
    %max3A_256 = vector.broadcast %max3A_255 : f32 to vector<32xf32>
    %max3A_257 = arith.maximumf %max3A_256, %reduce_max3A_254 : vector<32xf32>
    %broadcast_in_dim3A_258 = vector.shape_cast %max3A_257 : vector<32xf32> to vector<32x1xf32>
    %sub3A_259 = vector.broadcast %broadcast_in_dim3A_258 : vector<32x1xf32> to vector<32x32xf32>
    %sub3A_260 = arith.subf %mul3A_252, %sub3A_259 : vector<32x32xf32>
    %exp3A_261 = math.exp %sub3A_260 : vector<32x32xf32>
    %reduce_sum3A_262 = arith.constant dense<0.000000e+00> : vector<32xf32>
    %reduce_sum3A_263 = vector.multi_reduction <add>, %exp3A_261, %reduce_sum3A_262 [1] : vector<32x32xf32> to vector<32xf32>
    %broadcast_in_dim3A_264 = vector.shape_cast %reduce_sum3A_263 : vector<32xf32> to vector<32x1xf32>
    %div3A_265 = vector.broadcast %broadcast_in_dim3A_264 : vector<32x1xf32> to vector<32x32xf32>
    %div3A_266 = arith.divf %exp3A_261, %div3A_265 : vector<32x32xf32>
    %convert_element_type3A_267 = arith.truncf %slice3A_244 : vector<32x512xf32> to vector<32x512xbf16>
    %convert_element_type3A_268 = arith.truncf %div3A_266 : vector<32x32xf32> to vector<32x32xbf16>
    %dot_general3A_269 = arith.constant dense<0.000000e+00> : vector<32x512xf32>
    %dot_general3A_270 = tpu.matmul %convert_element_type3A_268, %convert_element_type3A_267, %dot_general3A_269 {dimension_numbers = #tpu.dot_dimension_numbers<[1], [0], [0], [1], [0, 0, 1, 1], [], []>, transpose_lhs_hint = false} : vector<32x32xbf16>, vector<32x512xbf16>, vector<32x512xf32> -> vector<32x512xf32>
    %slice3A_271 = vector.extract_strided_slice %dot_general3A_9 {offsets = [288, 0], sizes = [32, 512], strides = [1, 1]} : vector<320x512xf32> to vector<32x512xf32>
    %slice3A_272 = vector.extract_strided_slice %dot_general3A_14 {offsets = [288, 0], sizes = [32, 512], strides = [1, 1]} : vector<320x512xf32> to vector<32x512xf32>
    %slice3A_273 = vector.extract_strided_slice %dot_general3A_19 {offsets = [288, 0], sizes = [32, 512], strides = [1, 1]} : vector<320x512xf32> to vector<32x512xf32>
    %convert_element_type3A_274 = arith.truncf %slice3A_272 : vector<32x512xf32> to vector<32x512xbf16>
    %transpose3A_275 = tpu.transpose %convert_element_type3A_274, [1, 0] : vector<32x512xbf16> -> vector<512x32xbf16>
    %convert_element_type3A_276 = arith.truncf %slice3A_271 : vector<32x512xf32> to vector<32x512xbf16>
    %dot_general3A_277 = arith.constant dense<0.000000e+00> : vector<32x32xf32>
    %dot_general3A_278 = tpu.matmul %convert_element_type3A_276, %transpose3A_275, %dot_general3A_277 {dimension_numbers = #tpu.dot_dimension_numbers<[1], [0], [0], [1], [0, 0, 1, 1], [], []>, transpose_lhs_hint = false} : vector<32x512xbf16>, vector<512x32xbf16>, vector<32x32xf32> -> vector<32x32xf32>
    %mul3A_279 = arith.constant 0.0441941731 : f32
    %mul3A_280 = vector.broadcast %mul3A_279 : f32 to vector<32x32xf32>
    %mul3A_281 = arith.mulf %dot_general3A_278, %mul3A_280 : vector<32x32xf32>
    %reduce_max3A_282 = arith.constant dense<0xFF800000> : vector<32xf32>
    %reduce_max3A_283 = vector.multi_reduction <maximumf>, %mul3A_281, %reduce_max3A_282 [1] : vector<32x32xf32> to vector<32xf32>
    %max3A_284 = arith.constant 0xFF800000 : f32
    %max3A_285 = vector.broadcast %max3A_284 : f32 to vector<32xf32>
    %max3A_286 = arith.maximumf %max3A_285, %reduce_max3A_283 : vector<32xf32>
    %broadcast_in_dim3A_287 = vector.shape_cast %max3A_286 : vector<32xf32> to vector<32x1xf32>
    %sub3A_288 = vector.broadcast %broadcast_in_dim3A_287 : vector<32x1xf32> to vector<32x32xf32>
    %sub3A_289 = arith.subf %mul3A_281, %sub3A_288 : vector<32x32xf32>
    %exp3A_290 = math.exp %sub3A_289 : vector<32x32xf32>
    %reduce_sum3A_291 = arith.constant dense<0.000000e+00> : vector<32xf32>
    %reduce_sum3A_292 = vector.multi_reduction <add>, %exp3A_290, %reduce_sum3A_291 [1] : vector<32x32xf32> to vector<32xf32>
    %broadcast_in_dim3A_293 = vector.shape_cast %reduce_sum3A_292 : vector<32xf32> to vector<32x1xf32>
    %div3A_294 = vector.broadcast %broadcast_in_dim3A_293 : vector<32x1xf32> to vector<32x32xf32>
    %div3A_295 = arith.divf %exp3A_290, %div3A_294 : vector<32x32xf32>
    %convert_element_type3A_296 = arith.truncf %slice3A_273 : vector<32x512xf32> to vector<32x512xbf16>
    %convert_element_type3A_297 = arith.truncf %div3A_295 : vector<32x32xf32> to vector<32x32xbf16>
    %dot_general3A_298 = arith.constant dense<0.000000e+00> : vector<32x512xf32>
    %dot_general3A_299 = tpu.matmul %convert_element_type3A_297, %convert_element_type3A_296, %dot_general3A_298 {dimension_numbers = #tpu.dot_dimension_numbers<[1], [0], [0], [1], [0, 0, 1, 1], [], []>, transpose_lhs_hint = false} : vector<32x32xbf16>, vector<32x512xbf16>, vector<32x512xf32> -> vector<32x512xf32>
    %concatenate3A = tpu.concatenate %dot_general3A_38, %dot_general3A_67, %dot_general3A_96, %dot_general3A_125, %dot_general3A_154, %dot_general3A_183, %dot_general3A_212, %dot_general3A_241, %dot_general3A_270, %dot_general3A_299 in 0 : vector<32x512xf32>, vector<32x512xf32>, vector<32x512xf32>, vector<32x512xf32>, vector<32x512xf32>, vector<32x512xf32>, vector<32x512xf32>, vector<32x512xf32>, vector<32x512xf32>, vector<32x512xf32> -> vector<320x512xf32>
    %get3A_300 = arith.constant 0 : index
    %get3A_301 = arith.constant 0 : index
    %get3A_302 = vector.load %arg5[%get3A_300, %get3A_301] : memref<512x2048xbf16, #tpu.memory_space<vmem>>, vector<512x2048xbf16>
    %convert_element_type3A_303 = arith.truncf %concatenate3A : vector<320x512xf32> to vector<320x512xbf16>
    %dot_general3A_304 = arith.constant dense<0.000000e+00> : vector<320x2048xf32>
    %dot_general3A_305 = tpu.matmul %convert_element_type3A_303, %get3A_302, %dot_general3A_304 {dimension_numbers = #tpu.dot_dimension_numbers<[1], [0], [0], [1], [0, 0, 1, 1], [], []>, transpose_lhs_hint = false} : vector<320x512xbf16>, vector<512x2048xbf16>, vector<320x2048xf32> -> vector<320x2048xf32>
    %add3A = arith.addf %dot_general3A_305, %reshape3A : vector<320x2048xf32>
    %max3A_306 = arith.constant 0.000000e+00 : f32
    %max3A_307 = vector.broadcast %max3A_306 : f32 to vector<320x2048xf32>
    %max3A_308 = arith.maximumf %add3A, %max3A_307 : vector<320x2048xf32>
    %get3A_309 = arith.constant 0 : index
    %get3A_310 = arith.constant 0 : index
    %get3A_311 = vector.load %arg6[%get3A_309, %get3A_310] : memref<2048x512xbf16, #tpu.memory_space<vmem>>, vector<2048x512xbf16>
    %convert_element_type3A_312 = arith.truncf %max3A_308 : vector<320x2048xf32> to vector<320x2048xbf16>
    %dot_general3A_313 = arith.constant dense<0.000000e+00> : vector<320x512xf32>
    %dot_general3A_314 = tpu.matmul %convert_element_type3A_312, %get3A_311, %dot_general3A_313 {dimension_numbers = #tpu.dot_dimension_numbers<[1], [0], [0], [1], [0, 0, 1, 1], [], []>, transpose_lhs_hint = false} : vector<320x2048xbf16>, vector<2048x512xbf16>, vector<320x512xf32> -> vector<320x512xf32>
    %get3A_315 = arith.constant 0 : index
    %get3A_316 = arith.constant 0 : index
    %get3A_317 = vector.load %arg7[%get3A_315, %get3A_316] : memref<1x512xf32, #tpu.memory_space<vmem>>, vector<1x512xf32>
    %add3A_318 = vector.broadcast %get3A_317 : vector<1x512xf32> to vector<320x512xf32>
    %add3A_319 = arith.addf %dot_general3A_314, %add3A_318 : vector<320x512xf32>
    %max3A_320 = arith.constant 0.000000e+00 : f32
    %max3A_321 = vector.broadcast %max3A_320 : f32 to vector<320x512xf32>
    %max3A_322 = arith.maximumf %add3A_319, %max3A_321 : vector<320x512xf32>
    %get3A_323 = arith.constant 0 : index
    %get3A_324 = arith.constant 0 : index
    %get3A_325 = vector.load %arg8[%get3A_323, %get3A_324] : memref<512x128xbf16, #tpu.memory_space<vmem>>, vector<512x128xbf16>
    %convert_element_type3A_326 = arith.truncf %max3A_322 : vector<320x512xf32> to vector<320x512xbf16>
    %dot_general3A_327 = arith.constant dense<0.000000e+00> : vector<320x128xf32>
    %dot_general3A_328 = tpu.matmul %convert_element_type3A_326, %get3A_325, %dot_general3A_327 {dimension_numbers = #tpu.dot_dimension_numbers<[1], [0], [0], [1], [0, 0, 1, 1], [], []>, transpose_lhs_hint = false} : vector<320x512xbf16>, vector<512x128xbf16>, vector<320x128xf32> -> vector<320x128xf32>
    %get3A_329 = arith.constant 0 : index
    %get3A_330 = arith.constant 0 : index
    %get3A_331 = vector.load %arg9[%get3A_329, %get3A_330] : memref<1x128xf32, #tpu.memory_space<vmem>>, vector<1x128xf32>
    %add3A_332 = vector.broadcast %get3A_331 : vector<1x128xf32> to vector<320x128xf32>
    %add3A_333 = arith.addf %dot_general3A_328, %add3A_332 : vector<320x128xf32>
    %max3A_334 = arith.constant 0.000000e+00 : f32
    %max3A_335 = vector.broadcast %max3A_334 : f32 to vector<320x128xf32>
    %max3A_336 = arith.maximumf %add3A_333, %max3A_335 : vector<320x128xf32>
    %convert_element_type3A_337 = arith.truncf %max3A_336 : vector<320x128xf32> to vector<320x128xbf16>
    %convert_element_type3A_338 = arith.extf %convert_element_type3A_337 : vector<320x128xbf16> to vector<320x128xf32>
    %get3A_339 = arith.constant 0 : index
    %get3A_340 = arith.constant 0 : index
    %get3A_341 = vector.load %arg10[%get3A_339, %get3A_340] : memref<1x128xf32, #tpu.memory_space<vmem>>, vector<1x128xf32>
    %convert_element_type3A_342 = arith.truncf %get3A_341 : vector<1x128xf32> to vector<1x128xbf16>
    %convert_element_type3A_343 = arith.extf %convert_element_type3A_342 : vector<1x128xbf16> to vector<1x128xf32>
    %mul3A_344 = vector.broadcast %convert_element_type3A_343 : vector<1x128xf32> to vector<320x128xf32>
    %mul3A_345 = arith.mulf %convert_element_type3A_338, %mul3A_344 : vector<320x128xf32>
    %reduce_sum3A_346 = arith.constant dense<0.000000e+00> : vector<320xf32>
    %reduce_sum3A_347 = vector.multi_reduction <add>, %mul3A_345, %reduce_sum3A_346 [1] : vector<320x128xf32> to vector<320xf32>
    %broadcast_in_dim3A_348 = vector.shape_cast %reduce_sum3A_347 : vector<320xf32> to vector<320x1xf32>
    %get3A_349 = arith.constant 0 : index
    %get3A_350 = arith.constant 0 : index
    %get3A_351 = vector.load %arg11[%get3A_349, %get3A_350] : memref<1x1xf32, #tpu.memory_space<vmem>>, vector<1x1xf32>
    %add3A_352 = vector.broadcast %get3A_351 : vector<1x1xf32> to vector<320x1xf32>
    %add3A_353 = arith.addf %broadcast_in_dim3A_348, %add3A_352 : vector<320x1xf32>
    %logistic3A = arith.negf %add3A_353 : vector<320x1xf32>
    %logistic3A_354 = math.exp %logistic3A : vector<320x1xf32>
    %logistic3A_355 = arith.constant 1.000000e+00 : f32
    %logistic3A_356 = vector.broadcast %logistic3A_355 : f32 to vector<320x1xf32>
    %logistic3A_357 = arith.addf %logistic3A_356, %logistic3A_354 : vector<320x1xf32>
    %logistic3A_358 = arith.divf %logistic3A_356, %logistic3A_357 : vector<320x1xf32>
    %reshape3A_359 = vector.shape_cast %logistic3A_358 : vector<320x1xf32> to vector<10x32xf32>
    %reduce_sum3A_360 = arith.constant dense<0.000000e+00> : vector<32xf32>
    %reduce_sum3A_361 = vector.multi_reduction <add>, %reshape3A_359, %reduce_sum3A_360 [0] : vector<10x32xf32> to vector<32xf32>
    %div3A_362 = arith.constant 1.000000e+01 : f32
    %div3A_363 = vector.broadcast %div3A_362 : f32 to vector<32xf32>
    %div3A_364 = arith.divf %reduce_sum3A_361, %div3A_363 : vector<32xf32>
    %swap3A = arith.constant 0 : index
    %swap3A_365 = arith.constant 0 : index
    %swap3A_366 = arith.constant 0 : index
    %swap3A_367 = vector.load %arg14[%swap3A, %swap3A_365, %swap3A_366] : memref<1x1x32xf32, #tpu.memory_space<vmem>>, vector<1x1x32xf32>
    %swap3A_368 = vector.shape_cast %swap3A_367 : vector<1x1x32xf32> to vector<32xf32>
    %swap3A_369 = vector.shape_cast %div3A_364 : vector<32xf32> to vector<1x1x32xf32>
    tpu.vector_store %arg14[%swap3A, %swap3A_365, %swap3A_366], %swap3A_369 {strides = array<i32>} : memref<1x1x32xf32, #tpu.memory_space<vmem>>, vector<1x1x32xf32>,
    %mul3A_370 = arith.mulf %max3A_308, %max3A_308 : vector<320x2048xf32>
    %reduce_sum3A_371 = arith.constant dense<0.000000e+00> : vector<320xf32>
    %reduce_sum3A_372 = vector.multi_reduction <add>, %mul3A_370, %reduce_sum3A_371 [1] : vector<320x2048xf32> to vector<320xf32>
    %add3A_373 = arith.constant 9.99999996E-13 : f32
    %add3A_374 = vector.broadcast %add3A_373 : f32 to vector<320xf32>
    %add3A_375 = arith.addf %reduce_sum3A_372, %add3A_374 : vector<320xf32>
    %sqrt3A = math.sqrt %add3A_375 : vector<320xf32>
    %reshape3A_376 = vector.shape_cast %sqrt3A : vector<320xf32> to vector<10x32xf32>
    %jit3A = arith.constant 6.000000e+00 : f32
    %jit3A_377 = arith.constant 5.000000e+00 : f32
    %select_n3A = arith.select %lt3A_0, %jit3A, %jit3A_377 : f32
    %div3A_378 = vector.broadcast %select_n3A : f32 to vector<10x32xf32>
    %div3A_379 = arith.divf %reshape3A_376, %div3A_378 : vector<10x32xf32>
    %reduce_max3A_380 = arith.constant dense<0xFF800000> : vector<10xf32>
    %reduce_max3A_381 = vector.multi_reduction <maximumf>, %div3A_379, %reduce_max3A_380 [1] : vector<10x32xf32> to vector<10xf32>
    %max3A_382 = arith.constant 0xFF800000 : f32
    %max3A_383 = vector.broadcast %max3A_382 : f32 to vector<10xf32>
    %max3A_384 = arith.maximumf %max3A_383, %reduce_max3A_381 : vector<10xf32>
    %broadcast_in_dim3A_385 = vector.shape_cast %max3A_384 : vector<10xf32> to vector<10x1xf32>
    %sub3A_386 = vector.broadcast %broadcast_in_dim3A_385 : vector<10x1xf32> to vector<10x32xf32>
    %sub3A_387 = arith.subf %div3A_379, %sub3A_386 : vector<10x32xf32>
    %exp3A_388 = math.exp %sub3A_387 : vector<10x32xf32>
    %reduce_sum3A_389 = arith.constant dense<0.000000e+00> : vector<10xf32>
    %reduce_sum3A_390 = vector.multi_reduction <add>, %exp3A_388, %reduce_sum3A_389 [1] : vector<10x32xf32> to vector<10xf32>
    %broadcast_in_dim3A_391 = vector.shape_cast %reduce_sum3A_390 : vector<10xf32> to vector<10x1xf32>
    %div3A_392 = vector.broadcast %broadcast_in_dim3A_391 : vector<10x1xf32> to vector<10x32xf32>
    %div3A_393 = arith.divf %exp3A_388, %div3A_392 : vector<10x32xf32>
    %reshape3A_394 = vector.shape_cast %max3A_308 : vector<320x2048xf32> to vector<10x32x2048xf32>
    %broadcast_in_dim3A_395 = vector.shape_cast %div3A_393 : vector<10x32xf32> to vector<10x32x1xf32>
    %mul3A_396 = vector.broadcast %broadcast_in_dim3A_395 : vector<10x32x1xf32> to vector<10x32x2048xf32>
    %mul3A_397 = arith.mulf %reshape3A_394, %mul3A_396 : vector<10x32x2048xf32>
    %mul3A_398 = arith.constant 3.200000e+01 : f32
    %mul3A_399 = vector.broadcast %mul3A_398 : f32 to vector<10x32x2048xf32>
    %mul3A_400 = arith.mulf %mul3A_397, %mul3A_399 : vector<10x32x2048xf32>
    %swap3A_401 = arith.constant 0 : index
    %swap3A_402 = arith.constant 0 : index
    %swap3A_403 = arith.constant 0 : index
    %swap3A_404 = vector.load %arg18[%swap3A_401, %swap3A_402, %swap3A_403] : memref<10x32x2048xf32, #tpu.memory_space<vmem>>, vector<10x32x2048xf32>
    tpu.vector_store %arg18[%swap3A_401, %swap3A_402, %swap3A_403], %mul3A_400 {strides = array<i32>} : memref<10x32x2048xf32, #tpu.memory_space<vmem>>, vector<10x32x2048xf32>,
    %reshape3A_405 = vector.shape_cast %mul3A_400 : vector<10x32x2048xf32> to vector<320x2048xf32>
    %broadcast_in_dim3A_406 = arith.constant 0xFF800000 : f32
    %broadcast_in_dim3A_407 = vector.broadcast %broadcast_in_dim3A_406 : f32 to vector<320x128xf32>
    %slice3A_408 = vector.extract_strided_slice %reshape3A_405 {offsets = [0, 0], sizes = [320, 128], strides = [1, 1]} : vector<320x2048xf32> to vector<320x128xf32>
    %slice3A_409 = vector.extract_strided_slice %reshape3A_405 {offsets = [0, 128], sizes = [320, 128], strides = [1, 1]} : vector<320x2048xf32> to vector<320x128xf32>
    %max3A_410 = arith.maximumf %slice3A_408, %slice3A_409 : vector<320x128xf32>
    %min3A = arith.minimumf %slice3A_408, %slice3A_409 : vector<320x128xf32>
    %max3A_411 = arith.maximumf %broadcast_in_dim3A_407, %min3A : vector<320x128xf32>
    %min3A_412 = arith.minimumf %broadcast_in_dim3A_407, %min3A : vector<320x128xf32>
    %max3A_413 = arith.maximumf %broadcast_in_dim3A_407, %min3A_412 : vector<320x128xf32>
    %min3A_414 = arith.minimumf %broadcast_in_dim3A_407, %min3A_412 : vector<320x128xf32>
    %max3A_415 = arith.maximumf %broadcast_in_dim3A_407, %min3A_414 : vector<320x128xf32>
    %slice3A_416 = vector.extract_strided_slice %reshape3A_405 {offsets = [0, 256], sizes = [320, 128], strides = [1, 1]} : vector<320x2048xf32> to vector<320x128xf32>
    %max3A_417 = arith.maximumf %max3A_410, %slice3A_416 : vector<320x128xf32>
    %min3A_418 = arith.minimumf %max3A_410, %slice3A_416 : vector<320x128xf32>
    %max3A_419 = arith.maximumf %max3A_411, %min3A_418 : vector<320x128xf32>
    %min3A_420 = arith.minimumf %max3A_411, %min3A_418 : vector<320x128xf32>
    %max3A_421 = arith.maximumf %max3A_413, %min3A_420 : vector<320x128xf32>
    %min3A_422 = arith.minimumf %max3A_413, %min3A_420 : vector<320x128xf32>
    %max3A_423 = arith.maximumf %max3A_415, %min3A_422 : vector<320x128xf32>
    %slice3A_424 = vector.extract_strided_slice %reshape3A_405 {offsets = [0, 384], sizes = [320, 128], strides = [1, 1]} : vector<320x2048xf32> to vector<320x128xf32>
    %max3A_425 = arith.maximumf %max3A_417, %slice3A_424 : vector<320x128xf32>
    %min3A_426 = arith.minimumf %max3A_417, %slice3A_424 : vector<320x128xf32>
    %max3A_427 = arith.maximumf %max3A_419, %min3A_426 : vector<320x128xf32>
    %min3A_428 = arith.minimumf %max3A_419, %min3A_426 : vector<320x128xf32>
    %max3A_429 = arith.maximumf %max3A_421, %min3A_428 : vector<320x128xf32>
    %min3A_430 = arith.minimumf %max3A_421, %min3A_428 : vector<320x128xf32>
    %max3A_431 = arith.maximumf %max3A_423, %min3A_430 : vector<320x128xf32>
    %slice3A_432 = vector.extract_strided_slice %reshape3A_405 {offsets = [0, 512], sizes = [320, 128], strides = [1, 1]} : vector<320x2048xf32> to vector<320x128xf32>
    %max3A_433 = arith.maximumf %max3A_425, %slice3A_432 : vector<320x128xf32>
    %min3A_434 = arith.minimumf %max3A_425, %slice3A_432 : vector<320x128xf32>
    %max3A_435 = arith.maximumf %max3A_427, %min3A_434 : vector<320x128xf32>
    %min3A_436 = arith.minimumf %max3A_427, %min3A_434 : vector<320x128xf32>
    %max3A_437 = arith.maximumf %max3A_429, %min3A_436 : vector<320x128xf32>
    %min3A_438 = arith.minimumf %max3A_429, %min3A_436 : vector<320x128xf32>
    %max3A_439 = arith.maximumf %max3A_431, %min3A_438 : vector<320x128xf32>
    %slice3A_440 = vector.extract_strided_slice %reshape3A_405 {offsets = [0, 640], sizes = [320, 128], strides = [1, 1]} : vector<320x2048xf32> to vector<320x128xf32>
    %max3A_441 = arith.maximumf %max3A_433, %slice3A_440 : vector<320x128xf32>
    %min3A_442 = arith.minimumf %max3A_433, %slice3A_440 : vector<320x128xf32>
    %max3A_443 = arith.maximumf %max3A_435, %min3A_442 : vector<320x128xf32>
    %min3A_444 = arith.minimumf %max3A_435, %min3A_442 : vector<320x128xf32>
    %max3A_445 = arith.maximumf %max3A_437, %min3A_444 : vector<320x128xf32>
    %min3A_446 = arith.minimumf %max3A_437, %min3A_444 : vector<320x128xf32>
    %max3A_447 = arith.maximumf %max3A_439, %min3A_446 : vector<320x128xf32>
    %slice3A_448 = vector.extract_strided_slice %reshape3A_405 {offsets = [0, 768], sizes = [320, 128], strides = [1, 1]} : vector<320x2048xf32> to vector<320x128xf32>
    %max3A_449 = arith.maximumf %max3A_441, %slice3A_448 : vector<320x128xf32>
    %min3A_450 = arith.minimumf %max3A_441, %slice3A_448 : vector<320x128xf32>
    %max3A_451 = arith.maximumf %max3A_443, %min3A_450 : vector<320x128xf32>
    %min3A_452 = arith.minimumf %max3A_443, %min3A_450 : vector<320x128xf32>
    %max3A_453 = arith.maximumf %max3A_445, %min3A_452 : vector<320x128xf32>
    %min3A_454 = arith.minimumf %max3A_445, %min3A_452 : vector<320x128xf32>
    %max3A_455 = arith.maximumf %max3A_447, %min3A_454 : vector<320x128xf32>
    %slice3A_456 = vector.extract_strided_slice %reshape3A_405 {offsets = [0, 896], sizes = [320, 128], strides = [1, 1]} : vector<320x2048xf32> to vector<320x128xf32>
    %max3A_457 = arith.maximumf %max3A_449, %slice3A_456 : vector<320x128xf32>
    %min3A_458 = arith.minimumf %max3A_449, %slice3A_456 : vector<320x128xf32>
    %max3A_459 = arith.maximumf %max3A_451, %min3A_458 : vector<320x128xf32>
    %min3A_460 = arith.minimumf %max3A_451, %min3A_458 : vector<320x128xf32>
    %max3A_461 = arith.maximumf %max3A_453, %min3A_460 : vector<320x128xf32>
    %min3A_462 = arith.minimumf %max3A_453, %min3A_460 : vector<320x128xf32>
    %max3A_463 = arith.maximumf %max3A_455, %min3A_462 : vector<320x128xf32>
    %slice3A_464 = vector.extract_strided_slice %reshape3A_405 {offsets = [0, 1024], sizes = [320, 128], strides = [1, 1]} : vector<320x2048xf32> to vector<320x128xf32>
    %max3A_465 = arith.maximumf %max3A_457, %slice3A_464 : vector<320x128xf32>
    %min3A_466 = arith.minimumf %max3A_457, %slice3A_464 : vector<320x128xf32>
    %max3A_467 = arith.maximumf %max3A_459, %min3A_466 : vector<320x128xf32>
    %min3A_468 = arith.minimumf %max3A_459, %min3A_466 : vector<320x128xf32>
    %max3A_469 = arith.maximumf %max3A_461, %min3A_468 : vector<320x128xf32>
    %min3A_470 = arith.minimumf %max3A_461, %min3A_468 : vector<320x128xf32>
    %max3A_471 = arith.maximumf %max3A_463, %min3A_470 : vector<320x128xf32>
    %slice3A_472 = vector.extract_strided_slice %reshape3A_405 {offsets = [0, 1152], sizes = [320, 128], strides = [1, 1]} : vector<320x2048xf32> to vector<320x128xf32>
    %max3A_473 = arith.maximumf %max3A_465, %slice3A_472 : vector<320x128xf32>
    %min3A_474 = arith.minimumf %max3A_465, %slice3A_472 : vector<320x128xf32>
    %max3A_475 = arith.maximumf %max3A_467, %min3A_474 : vector<320x128xf32>
    %min3A_476 = arith.minimumf %max3A_467, %min3A_474 : vector<320x128xf32>
    %max3A_477 = arith.maximumf %max3A_469, %min3A_476 : vector<320x128xf32>
    %min3A_478 = arith.minimumf %max3A_469, %min3A_476 : vector<320x128xf32>
    %max3A_479 = arith.maximumf %max3A_471, %min3A_478 : vector<320x128xf32>
    %slice3A_480 = vector.extract_strided_slice %reshape3A_405 {offsets = [0, 1280], sizes = [320, 128], strides = [1, 1]} : vector<320x2048xf32> to vector<320x128xf32>
    %max3A_481 = arith.maximumf %max3A_473, %slice3A_480 : vector<320x128xf32>
    %min3A_482 = arith.minimumf %max3A_473, %slice3A_480 : vector<320x128xf32>
    %max3A_483 = arith.maximumf %max3A_475, %min3A_482 : vector<320x128xf32>
    %min3A_484 = arith.minimumf %max3A_475, %min3A_482 : vector<320x128xf32>
    %max3A_485 = arith.maximumf %max3A_477, %min3A_484 : vector<320x128xf32>
    %min3A_486 = arith.minimumf %max3A_477, %min3A_484 : vector<320x128xf32>
    %max3A_487 = arith.maximumf %max3A_479, %min3A_486 : vector<320x128xf32>
    %slice3A_488 = vector.extract_strided_slice %reshape3A_405 {offsets = [0, 1408], sizes = [320, 128], strides = [1, 1]} : vector<320x2048xf32> to vector<320x128xf32>
    %max3A_489 = arith.maximumf %max3A_481, %slice3A_488 : vector<320x128xf32>
    %min3A_490 = arith.minimumf %max3A_481, %slice3A_488 : vector<320x128xf32>
    %max3A_491 = arith.maximumf %max3A_483, %min3A_490 : vector<320x128xf32>
    %min3A_492 = arith.minimumf %max3A_483, %min3A_490 : vector<320x128xf32>
    %max3A_493 = arith.maximumf %max3A_485, %min3A_492 : vector<320x128xf32>
    %min3A_494 = arith.minimumf %max3A_485, %min3A_492 : vector<320x128xf32>
    %max3A_495 = arith.maximumf %max3A_487, %min3A_494 : vector<320x128xf32>
    %slice3A_496 = vector.extract_strided_slice %reshape3A_405 {offsets = [0, 1536], sizes = [320, 128], strides = [1, 1]} : vector<320x2048xf32> to vector<320x128xf32>
    %max3A_497 = arith.maximumf %max3A_489, %slice3A_496 : vector<320x128xf32>
    %min3A_498 = arith.minimumf %max3A_489, %slice3A_496 : vector<320x128xf32>
    %max3A_499 = arith.maximumf %max3A_491, %min3A_498 : vector<320x128xf32>
    %min3A_500 = arith.minimumf %max3A_491, %min3A_498 : vector<320x128xf32>
    %max3A_501 = arith.maximumf %max3A_493, %min3A_500 : vector<320x128xf32>
    %min3A_502 = arith.minimumf %max3A_493, %min3A_500 : vector<320x128xf32>
    %max3A_503 = arith.maximumf %max3A_495, %min3A_502 : vector<320x128xf32>
    %slice3A_504 = vector.extract_strided_slice %reshape3A_405 {offsets = [0, 1664], sizes = [320, 128], strides = [1, 1]} : vector<320x2048xf32> to vector<320x128xf32>
    %max3A_505 = arith.maximumf %max3A_497, %slice3A_504 : vector<320x128xf32>
    %min3A_506 = arith.minimumf %max3A_497, %slice3A_504 : vector<320x128xf32>
    %max3A_507 = arith.maximumf %max3A_499, %min3A_506 : vector<320x128xf32>
    %min3A_508 = arith.minimumf %max3A_499, %min3A_506 : vector<320x128xf32>
    %max3A_509 = arith.maximumf %max3A_501, %min3A_508 : vector<320x128xf32>
    %min3A_510 = arith.minimumf %max3A_501, %min3A_508 : vector<320x128xf32>
    %max3A_511 = arith.maximumf %max3A_503, %min3A_510 : vector<320x128xf32>
    %slice3A_512 = vector.extract_strided_slice %reshape3A_405 {offsets = [0, 1792], sizes = [320, 128], strides = [1, 1]} : vector<320x2048xf32> to vector<320x128xf32>
    %max3A_513 = arith.maximumf %max3A_505, %slice3A_512 : vector<320x128xf32>
    %min3A_514 = arith.minimumf %max3A_505, %slice3A_512 : vector<320x128xf32>
    %max3A_515 = arith.maximumf %max3A_507, %min3A_514 : vector<320x128xf32>
    %min3A_516 = arith.minimumf %max3A_507, %min3A_514 : vector<320x128xf32>
    %max3A_517 = arith.maximumf %max3A_509, %min3A_516 : vector<320x128xf32>
    %min3A_518 = arith.minimumf %max3A_509, %min3A_516 : vector<320x128xf32>
    %max3A_519 = arith.maximumf %max3A_511, %min3A_518 : vector<320x128xf32>
    %slice3A_520 = vector.extract_strided_slice %reshape3A_405 {offsets = [0, 1920], sizes = [320, 128], strides = [1, 1]} : vector<320x2048xf32> to vector<320x128xf32>
    %max3A_521 = arith.maximumf %max3A_513, %slice3A_520 : vector<320x128xf32>
    %min3A_522 = arith.minimumf %max3A_513, %slice3A_520 : vector<320x128xf32>
    %max3A_523 = arith.maximumf %max3A_515, %min3A_522 : vector<320x128xf32>
    %min3A_524 = arith.minimumf %max3A_515, %min3A_522 : vector<320x128xf32>
    %max3A_525 = arith.maximumf %max3A_517, %min3A_524 : vector<320x128xf32>
    %min3A_526 = arith.minimumf %max3A_517, %min3A_524 : vector<320x128xf32>
    %max3A_527 = arith.maximumf %max3A_519, %min3A_526 : vector<320x128xf32>
    %concatenate3A_528 = tpu.concatenate %max3A_521, %max3A_523, %max3A_525, %max3A_527 in 1 : vector<320x128xf32>, vector<320x128xf32>, vector<320x128xf32>, vector<320x128xf32> -> vector<320x512xf32>
    %iota3A = tpu.iota {dimensions = array<i32: 1>} : vector<320x512xi32>
    %reduce_max3A_529 = arith.constant dense<0xFF800000> : vector<320xf32>
    %reduce_max3A_530 = vector.multi_reduction <maximumf>, %concatenate3A_528, %reduce_max3A_529 [1] : vector<320x512xf32> to vector<320xf32>
    %broadcast_in_dim3A_531 = vector.shape_cast %reduce_max3A_530 : vector<320xf32> to vector<320x1xf32>
    %eq3A = vector.broadcast %broadcast_in_dim3A_531 : vector<320x1xf32> to vector<320x512xf32>
    %eq3A_532 = arith.cmpf oeq, %concatenate3A_528, %eq3A : vector<320x512xf32>
    %jit3A_533 = arith.constant 2048 : i32
    %broadcast_in_dim3A_534 = vector.broadcast %jit3A_533 : i32 to vector<320x512xi32>
    %select_n3A_535 = arith.select %eq3A_532, %iota3A, %broadcast_in_dim3A_534 : vector<320x512xi1>, vector<320x512xi32>
    %reduce_min3A = arith.constant dense<2147483647> : vector<320xi32>
    %reduce_min3A_536 = vector.multi_reduction <minsi>, %select_n3A_535, %reduce_min3A [1] : vector<320x512xi32> to vector<320xi32>
    %broadcast_in_dim3A_537 = vector.shape_cast %reduce_min3A_536 : vector<320xi32> to vector<320x1xi32>
    %eq3A_538 = vector.broadcast %broadcast_in_dim3A_537 : vector<320x1xi32> to vector<320x512xi32>
    %eq3A_539 = arith.cmpi eq, %iota3A, %eq3A_538 : vector<320x512xi32>
    %jit3A_540 = arith.constant 0xFF800000 : f32
    %broadcast_in_dim3A_541 = vector.broadcast %jit3A_540 : f32 to vector<320x512xf32>
    %select_n3A_542 = arith.select %eq3A_539, %broadcast_in_dim3A_541, %concatenate3A_528 : vector<320x512xi1>, vector<320x512xf32>
    %reduce_max3A_543 = arith.constant dense<0xFF800000> : vector<320xf32>
    %reduce_max3A_544 = vector.multi_reduction <maximumf>, %select_n3A_542, %reduce_max3A_543 [1] : vector<320x512xf32> to vector<320xf32>
    %broadcast_in_dim3A_545 = vector.shape_cast %reduce_max3A_544 : vector<320xf32> to vector<320x1xf32>
    %eq3A_546 = vector.broadcast %broadcast_in_dim3A_545 : vector<320x1xf32> to vector<320x512xf32>
    %eq3A_547 = arith.cmpf oeq, %select_n3A_542, %eq3A_546 : vector<320x512xf32>
    %jit3A_548 = arith.constant 2048 : i32
    %broadcast_in_dim3A_549 = vector.broadcast %jit3A_548 : i32 to vector<320x512xi32>
    %select_n3A_550 = arith.select %eq3A_547, %iota3A, %broadcast_in_dim3A_549 : vector<320x512xi1>, vector<320x512xi32>
    %reduce_min3A_551 = arith.constant dense<2147483647> : vector<320xi32>
    %reduce_min3A_552 = vector.multi_reduction <minsi>, %select_n3A_550, %reduce_min3A_551 [1] : vector<320x512xi32> to vector<320xi32>
    %broadcast_in_dim3A_553 = vector.shape_cast %reduce_min3A_552 : vector<320xi32> to vector<320x1xi32>
    %eq3A_554 = vector.broadcast %broadcast_in_dim3A_553 : vector<320x1xi32> to vector<320x512xi32>
    %eq3A_555 = arith.cmpi eq, %iota3A, %eq3A_554 : vector<320x512xi32>
    %jit3A_556 = arith.constant 0xFF800000 : f32
    %broadcast_in_dim3A_557 = vector.broadcast %jit3A_556 : f32 to vector<320x512xf32>
    %select_n3A_558 = arith.select %eq3A_555, %broadcast_in_dim3A_557, %select_n3A_542 : vector<320x512xi1>, vector<320x512xf32>
    %reduce_max3A_559 = arith.constant dense<0xFF800000> : vector<320xf32>
    %reduce_max3A_560 = vector.multi_reduction <maximumf>, %select_n3A_558, %reduce_max3A_559 [1] : vector<320x512xf32> to vector<320xf32>
    %broadcast_in_dim3A_561 = vector.shape_cast %reduce_max3A_560 : vector<320xf32> to vector<320x1xf32>
    %eq3A_562 = vector.broadcast %broadcast_in_dim3A_561 : vector<320x1xf32> to vector<320x512xf32>
    %eq3A_563 = arith.cmpf oeq, %select_n3A_558, %eq3A_562 : vector<320x512xf32>
    %jit3A_564 = arith.constant 2048 : i32
    %broadcast_in_dim3A_565 = vector.broadcast %jit3A_564 : i32 to vector<320x512xi32>
    %select_n3A_566 = arith.select %eq3A_563, %iota3A, %broadcast_in_dim3A_565 : vector<320x512xi1>, vector<320x512xi32>
    %reduce_min3A_567 = arith.constant dense<2147483647> : vector<320xi32>
    %reduce_min3A_568 = vector.multi_reduction <minsi>, %select_n3A_566, %reduce_min3A_567 [1] : vector<320x512xi32> to vector<320xi32>
    %broadcast_in_dim3A_569 = vector.shape_cast %reduce_min3A_568 : vector<320xi32> to vector<320x1xi32>
    %eq3A_570 = vector.broadcast %broadcast_in_dim3A_569 : vector<320x1xi32> to vector<320x512xi32>
    %eq3A_571 = arith.cmpi eq, %iota3A, %eq3A_570 : vector<320x512xi32>
    %jit3A_572 = arith.constant 0xFF800000 : f32
    %broadcast_in_dim3A_573 = vector.broadcast %jit3A_572 : f32 to vector<320x512xf32>
    %select_n3A_574 = arith.select %eq3A_571, %broadcast_in_dim3A_573, %select_n3A_558 : vector<320x512xi1>, vector<320x512xf32>
    %reduce_max3A_575 = arith.constant dense<0xFF800000> : vector<320xf32>
    %reduce_max3A_576 = vector.multi_reduction <maximumf>, %select_n3A_574, %reduce_max3A_575 [1] : vector<320x512xf32> to vector<320xf32>
    %broadcast_in_dim3A_577 = vector.shape_cast %reduce_max3A_576 : vector<320xf32> to vector<320x1xf32>
    %concatenate3A_578 = tpu.concatenate %broadcast_in_dim3A_531, %broadcast_in_dim3A_545, %broadcast_in_dim3A_561, %broadcast_in_dim3A_577 in 1 : vector<320x1xf32>, vector<320x1xf32>, vector<320x1xf32>, vector<320x1xf32> -> vector<320x4xf32>
    %reshape3A_579 = vector.shape_cast %concatenate3A_578 : vector<320x4xf32> to vector<10x32x4xf32>
    %swap3A_580 = arith.constant 0 : index
    %swap3A_581 = arith.constant 0 : index
    %swap3A_582 = arith.constant 0 : index
    %swap3A_583 = arith.constant 0 : index
    %swap3A_584 = vector.load %arg12[%swap3A_580, %swap3A_581, %swap3A_582, %swap3A_583] : memref<1x10x32x4xf32, #tpu.memory_space<vmem>>, vector<1x10x32x4xf32>
    %swap3A_585 = vector.shape_cast %swap3A_584 : vector<1x10x32x4xf32> to vector<10x32x4xf32>
    %swap3A_586 = vector.shape_cast %reshape3A_579 : vector<10x32x4xf32> to vector<1x10x32x4xf32>
    tpu.vector_store %arg12[%swap3A_580, %swap3A_581, %swap3A_582, %swap3A_583], %swap3A_586 {strides = array<i32>} : memref<1x10x32x4xf32, #tpu.memory_space<vmem>>, vector<1x10x32x4xf32>,
    %convert_element_type3A_587 = arith.extui %lt3A_0 : i1 to i32
    %cond3A = arith.constant 0 : i32
    %cond3A_588 = arith.cmpi ne, %convert_element_type3A_587, %cond3A : i32
    scf.if %cond3A_588 {
      %reshape3A_653 = vector.shape_cast %max3A_308 : vector<320x2048xf32> to vector<10x32x2048xf32>
      %reduce_sum3A_654 = arith.constant dense<0.000000e+00> : vector<32x2048xf32>
      %reduce_sum3A_655 = vector.multi_reduction <add>, %reshape3A_653, %reduce_sum3A_654 [0] : vector<10x32x2048xf32> to vector<32x2048xf32>
      %div3A_656 = arith.constant 1.000000e+01 : f32
      %div3A_657 = vector.broadcast %div3A_656 : f32 to vector<32x2048xf32>
      %div3A_658 = arith.divf %reduce_sum3A_655, %div3A_657 : vector<32x2048xf32>
      %slice3A_659 = vector.extract_strided_slice %div3A_658 {offsets = [3, 0], sizes = [29, 2048], strides = [1, 1]} : vector<32x2048xf32> to vector<29x2048xf32>
      %slice3A_660 = vector.extract_strided_slice %div3A_658 {offsets = [0, 0], sizes = [29, 2048], strides = [1, 1]} : vector<32x2048xf32> to vector<29x2048xf32>
      %sub3A_661 = arith.subf %slice3A_659, %slice3A_660 : vector<29x2048xf32>
      %abs3A = math.absf %sub3A_661 : vector<29x2048xf32>
      %reduce_sum3A_662 = arith.constant dense<0.000000e+00> : vector<29xf32>
      %reduce_sum3A_663 = vector.multi_reduction <add>, %abs3A, %reduce_sum3A_662 [1] : vector<29x2048xf32> to vector<29xf32>
      %div3A_664 = arith.constant 2.048000e+03 : f32
      %div3A_665 = vector.broadcast %div3A_664 : f32 to vector<29xf32>
      %div3A_666 = arith.divf %reduce_sum3A_663, %div3A_665 : vector<29xf32>
      %reshape3A_667 = vector.shape_cast %div3A_666 : vector<29xf32> to vector<1x29xf32>
      %iota3A_668 = tpu.iota {dimensions = array<i32: 1>} : vector<1x29xi32>
      %reduce_max3A_669 = vector.shape_cast %reshape3A_667 : vector<1x29xf32> to vector<1x1x29xf32>
      %reduce_max3A_670 = arith.constant dense<0xFF800000> : vector<1xf32>
      %reduce_max3A_671 = vector.multi_reduction <maximumf>, %reduce_max3A_669, %reduce_max3A_670 [1, 2] : vector<1x1x29xf32> to vector<1xf32>
      %reduce_max3A_672 = vector.shape_cast %reduce_max3A_671 : vector<1xf32> to vector<1x1x1xf32>
      %reduce_max3A_673 = vector.extract %reduce_max3A_672[0, 0, 0] : f32 from vector<1x1x1xf32>
      %eq3A_674 = vector.broadcast %reduce_max3A_673 : f32 to vector<1x29xf32>
      %eq3A_675 = arith.cmpf oeq, %reshape3A_667, %eq3A_674 : vector<1x29xf32>
      %jit3A_676 = arith.constant 32 : i32
      %broadcast_in_dim3A_677 = vector.broadcast %jit3A_676 : i32 to vector<1x29xi32>
      %select_n3A_678 = arith.select %eq3A_675, %iota3A_668, %broadcast_in_dim3A_677 : vector<1x29xi1>, vector<1x29xi32>
      %reduce_min3A_679 = vector.shape_cast %select_n3A_678 : vector<1x29xi32> to vector<1x1x29xi32>
      %reduce_min3A_680 = arith.constant dense<2147483647> : vector<1xi32>
      %reduce_min3A_681 = vector.multi_reduction <minsi>, %reduce_min3A_679, %reduce_min3A_680 [1, 2] : vector<1x1x29xi32> to vector<1xi32>
      %reduce_min3A_682 = vector.shape_cast %reduce_min3A_681 : vector<1xi32> to vector<1x1x1xi32>
      %reduce_min3A_683 = vector.extract %reduce_min3A_682[0, 0, 0] : i32 from vector<1x1x1xi32>
      %add3A_684 = arith.constant 3 : i32
      %add3A_685 = arith.addi %reduce_min3A_683, %add3A_684 : i32
      %swap3A_686 = arith.index_cast %arg0 : i32 to index
      %swap3A_687 = arith.constant 0 : index
      %swap3A_688 = memref.load %arg19[%swap3A_686, %swap3A_687] : memref<8x3xi32, #tpu.memory_space<smem>>
      memref.store %add3A_685, %arg19[%swap3A_686, %swap3A_687] : memref<8x3xi32, #tpu.memory_space<smem>>
      %eq3A_689 = vector.broadcast %reduce_min3A_683 : i32 to vector<1x29xi32>
      %eq3A_690 = arith.cmpi eq, %iota3A_668, %eq3A_689 : vector<1x29xi32>
      %jit3A_691 = arith.constant 0xFF800000 : f32
      %broadcast_in_dim3A_692 = vector.broadcast %jit3A_691 : f32 to vector<1x29xf32>
      %select_n3A_693 = arith.select %eq3A_690, %broadcast_in_dim3A_692, %reshape3A_667 : vector<1x29xi1>, vector<1x29xf32>
      %reduce_max3A_694 = vector.shape_cast %select_n3A_693 : vector<1x29xf32> to vector<1x1x29xf32>
      %reduce_max3A_695 = arith.constant dense<0xFF800000> : vector<1xf32>
      %reduce_max3A_696 = vector.multi_reduction <maximumf>, %reduce_max3A_694, %reduce_max3A_695 [1, 2] : vector<1x1x29xf32> to vector<1xf32>
      %reduce_max3A_697 = vector.shape_cast %reduce_max3A_696 : vector<1xf32> to vector<1x1x1xf32>
      %reduce_max3A_698 = vector.extract %reduce_max3A_697[0, 0, 0] : f32 from vector<1x1x1xf32>
      %eq3A_699 = vector.broadcast %reduce_max3A_698 : f32 to vector<1x29xf32>
      %eq3A_700 = arith.cmpf oeq, %select_n3A_693, %eq3A_699 : vector<1x29xf32>
      %jit3A_701 = arith.constant 32 : i32
      %broadcast_in_dim3A_702 = vector.broadcast %jit3A_701 : i32 to vector<1x29xi32>
      %select_n3A_703 = arith.select %eq3A_700, %iota3A_668, %broadcast_in_dim3A_702 : vector<1x29xi1>, vector<1x29xi32>
      %reduce_min3A_704 = vector.shape_cast %select_n3A_703 : vector<1x29xi32> to vector<1x1x29xi32>
      %reduce_min3A_705 = arith.constant dense<2147483647> : vector<1xi32>
      %reduce_min3A_706 = vector.multi_reduction <minsi>, %reduce_min3A_704, %reduce_min3A_705 [1, 2] : vector<1x1x29xi32> to vector<1xi32>
      %reduce_min3A_707 = vector.shape_cast %reduce_min3A_706 : vector<1xi32> to vector<1x1x1xi32>
      %reduce_min3A_708 = vector.extract %reduce_min3A_707[0, 0, 0] : i32 from vector<1x1x1xi32>
      %add3A_709 = arith.constant 3 : i32
      %add3A_710 = arith.addi %reduce_min3A_708, %add3A_709 : i32
      %swap3A_711 = arith.index_cast %arg0 : i32 to index
      %swap3A_712 = arith.constant 1 : index
      %swap3A_713 = memref.load %arg19[%swap3A_711, %swap3A_712] : memref<8x3xi32, #tpu.memory_space<smem>>
      memref.store %add3A_710, %arg19[%swap3A_711, %swap3A_712] : memref<8x3xi32, #tpu.memory_space<smem>>
      %eq3A_714 = vector.broadcast %reduce_min3A_708 : i32 to vector<1x29xi32>
      %eq3A_715 = arith.cmpi eq, %iota3A_668, %eq3A_714 : vector<1x29xi32>
      %jit3A_716 = arith.constant 0xFF800000 : f32
      %broadcast_in_dim3A_717 = vector.broadcast %jit3A_716 : f32 to vector<1x29xf32>
      %select_n3A_718 = arith.select %eq3A_715, %broadcast_in_dim3A_717, %select_n3A_693 : vector<1x29xi1>, vector<1x29xf32>
      %reduce_max3A_719 = vector.shape_cast %select_n3A_718 : vector<1x29xf32> to vector<1x1x29xf32>
      %reduce_max3A_720 = arith.constant dense<0xFF800000> : vector<1xf32>
      %reduce_max3A_721 = vector.multi_reduction <maximumf>, %reduce_max3A_719, %reduce_max3A_720 [1, 2] : vector<1x1x29xf32> to vector<1xf32>
      %reduce_max3A_722 = vector.shape_cast %reduce_max3A_721 : vector<1xf32> to vector<1x1x1xf32>
      %reduce_max3A_723 = vector.extract %reduce_max3A_722[0, 0, 0] : f32 from vector<1x1x1xf32>
      %eq3A_724 = vector.broadcast %reduce_max3A_723 : f32 to vector<1x29xf32>
      %eq3A_725 = arith.cmpf oeq, %select_n3A_718, %eq3A_724 : vector<1x29xf32>
      %jit3A_726 = arith.constant 32 : i32
      %broadcast_in_dim3A_727 = vector.broadcast %jit3A_726 : i32 to vector<1x29xi32>
      %select_n3A_728 = arith.select %eq3A_725, %iota3A_668, %broadcast_in_dim3A_727 : vector<1x29xi1>, vector<1x29xi32>
      %reduce_min3A_729 = vector.shape_cast %select_n3A_728 : vector<1x29xi32> to vector<1x1x29xi32>
      %reduce_min3A_730 = arith.constant dense<2147483647> : vector<1xi32>
      %reduce_min3A_731 = vector.multi_reduction <minsi>, %reduce_min3A_729, %reduce_min3A_730 [1, 2] : vector<1x1x29xi32> to vector<1xi32>
      %reduce_min3A_732 = vector.shape_cast %reduce_min3A_731 : vector<1xi32> to vector<1x1x1xi32>
      %reduce_min3A_733 = vector.extract %reduce_min3A_732[0, 0, 0] : i32 from vector<1x1x1xi32>
      %add3A_734 = arith.constant 3 : i32
      %add3A_735 = arith.addi %reduce_min3A_733, %add3A_734 : i32
      %swap3A_736 = arith.index_cast %arg0 : i32 to index
      %swap3A_737 = arith.constant 2 : index
      %swap3A_738 = memref.load %arg19[%swap3A_736, %swap3A_737] : memref<8x3xi32, #tpu.memory_space<smem>>
      memref.store %add3A_735, %arg19[%swap3A_736, %swap3A_737] : memref<8x3xi32, #tpu.memory_space<smem>>
    } else {
    }
    %convert_element_type3A_589 = arith.extui %lt3A_0 : i1 to i32
    %cond3A_590 = arith.constant 0 : i32
    %cond3A_591 = arith.cmpi ne, %convert_element_type3A_589, %cond3A_590 : i32
    scf.if %cond3A_591 {
      %swap3A_653 = arith.constant 0 : index
      %swap3A_654 = arith.constant 0 : index
      %swap3A_655 = arith.constant 0 : index
      %swap3A_656 = arith.constant 0 : index
      %swap3A_657 = vector.load %arg16[%swap3A_653, %swap3A_654, %swap3A_655, %swap3A_656] : memref<1x10x32x2048xf32, #tpu.memory_space<vmem>>, vector<1x10x32x2048xf32>
      %swap3A_658 = vector.shape_cast %swap3A_657 : vector<1x10x32x2048xf32> to vector<10x32x2048xf32>
      %swap3A_659 = vector.shape_cast %mul3A_400 : vector<10x32x2048xf32> to vector<1x10x32x2048xf32>
      tpu.vector_store %arg16[%swap3A_653, %swap3A_654, %swap3A_655, %swap3A_656], %swap3A_659 {strides = array<i32>} : memref<1x10x32x2048xf32, #tpu.memory_space<vmem>>, vector<1x10x32x2048xf32>,
      %iota3A_660 = tpu.iota {dimensions = array<i32: 1>} : vector<1x32xi32>
      %get3A_661 = arith.index_cast %arg0 : i32 to index
      %get3A_662 = arith.constant 0 : index
      %get3A_663 = memref.load %arg19[%get3A_661, %get3A_662] : memref<8x3xi32, #tpu.memory_space<smem>>
      %get3A_664 = arith.index_cast %arg0 : i32 to index
      %get3A_665 = arith.constant 1 : index
      %get3A_666 = memref.load %arg19[%get3A_664, %get3A_665] : memref<8x3xi32, #tpu.memory_space<smem>>
      %get3A_667 = arith.index_cast %arg0 : i32 to index
      %get3A_668 = arith.constant 2 : index
      %get3A_669 = memref.load %arg19[%get3A_667, %get3A_668] : memref<8x3xi32, #tpu.memory_space<smem>>
      %jit3A_670 = arith.constant 3 : i32
      %eq3A_671 = arith.constant 0 : i32
      %eq3A_672 = arith.cmpi eq, %jit3A_670, %eq3A_671 : i32
      %jit3A_673 = arith.constant 1 : i32
      %select_n3A_674 = arith.select %eq3A_672, %jit3A_673, %jit3A_670 : i32
      %rem3A = vector.broadcast %select_n3A_674 : i32 to vector<1x32xi32>
      %rem3A_675 = arith.remsi %iota3A_660, %rem3A : vector<1x32xi32>
      %ne3A = arith.constant 0 : i32
      %ne3A_676 = vector.broadcast %ne3A : i32 to vector<1x32xi32>
      %ne3A_677 = arith.cmpi ne, %rem3A_675, %ne3A_676 : vector<1x32xi32>
      %lt3A_678 = arith.constant 0 : i32
      %lt3A_679 = vector.broadcast %lt3A_678 : i32 to vector<1x32xi32>
      %lt3A_680 = arith.cmpi slt, %rem3A_675, %lt3A_679 : vector<1x32xi32>
      %lt3A_681 = arith.constant 0 : i32
      %lt3A_682 = arith.cmpi slt, %select_n3A_674, %lt3A_681 : i32
      %ne3A_683 = vector.broadcast %lt3A_682 : i1 to vector<1x32xi1>
      %ne3A_684 = vector.broadcast %ne3A_683 : vector<1x32xi1> to vector<1x32xi1>
      %ne3A_685 = arith.xori %lt3A_680, %ne3A_684 : vector<1x32xi1>
      %and3A = arith.andi %ne3A_685, %ne3A_677 : vector<1x32xi1>
      %add3A_686 = vector.broadcast %select_n3A_674 : i32 to vector<1x32xi32>
      %add3A_687 = arith.addi %rem3A_675, %add3A_686 : vector<1x32xi32>
      %select_n3A_688 = arith.select %and3A, %add3A_687, %rem3A_675 : vector<1x32xi1>, vector<1x32xi32>
      %eq3A_689 = arith.constant 0 : i32
      %eq3A_690 = vector.broadcast %eq3A_689 : i32 to vector<1x32xi32>
      %eq3A_691 = arith.cmpi eq, %select_n3A_688, %eq3A_690 : vector<1x32xi32>
      %eq3A_692 = arith.constant 1 : i32
      %eq3A_693 = vector.broadcast %eq3A_692 : i32 to vector<1x32xi32>
      %eq3A_694 = arith.cmpi eq, %select_n3A_688, %eq3A_693 : vector<1x32xi32>
      %broadcast_in_dim3A_695 = vector.broadcast %get3A_666 : i32 to vector<1x32xi32>
      %broadcast_in_dim3A_696 = vector.broadcast %get3A_669 : i32 to vector<1x32xi32>
      %select_n3A_697 = arith.select %eq3A_694, %broadcast_in_dim3A_695, %broadcast_in_dim3A_696 : vector<1x32xi1>, vector<1x32xi32>
      %broadcast_in_dim3A_698 = vector.broadcast %get3A_663 : i32 to vector<1x32xi32>
      %select_n3A_699 = arith.select %eq3A_691, %broadcast_in_dim3A_698, %select_n3A_697 : vector<1x32xi1>, vector<1x32xi32>
      %mul3A_700 = arith.constant 320 : i32
      %mul3A_701 = arith.muli %arg0, %mul3A_700 : i32
      %jit3A_702 = arith.constant 3 : i32
      %div3A_703 = vector.broadcast %jit3A_702 : i32 to vector<1x32xi32>
      %div3A_704 = arith.divsi %iota3A_660, %div3A_703 : vector<1x32xi32>
      %sign3A = arith.constant 0 : i32
      %sign3A_705 = vector.broadcast %sign3A : i32 to vector<1x32xi32>
      %sign3A_706 = arith.cmpi sgt, %iota3A_660, %sign3A_705 : vector<1x32xi32>
      %sign3A_707 = arith.extui %sign3A_706 : vector<1x32xi1> to vector<1x32xi32>
      %sign3A_708 = arith.constant 0 : i32
      %sign3A_709 = vector.broadcast %sign3A_708 : i32 to vector<1x32xi32>
      %sign3A_710 = arith.cmpi slt, %iota3A_660, %sign3A_709 : vector<1x32xi32>
      %sign3A_711 = arith.extui %sign3A_710 : vector<1x32xi1> to vector<1x32xi32>
      %sign3A_712 = arith.subi %sign3A_707, %sign3A_711 : vector<1x32xi32>
      %sign3A_713 = arith.constant 0 : i32
      %sign3A_714 = arith.cmpi sgt, %jit3A_702, %sign3A_713 : i32
      %sign3A_715 = arith.extui %sign3A_714 : i1 to i32
      %sign3A_716 = arith.constant 0 : i32
      %sign3A_717 = arith.cmpi slt, %jit3A_702, %sign3A_716 : i32
      %sign3A_718 = arith.extui %sign3A_717 : i1 to i32
      %sign3A_719 = arith.subi %sign3A_715, %sign3A_718 : i32
      %ne3A_720 = vector.broadcast %sign3A_719 : i32 to vector<1x32xi32>
      %ne3A_721 = arith.cmpi ne, %sign3A_712, %ne3A_720 : vector<1x32xi32>
      %rem3A_722 = vector.broadcast %jit3A_702 : i32 to vector<1x32xi32>
      %rem3A_723 = arith.remsi %iota3A_660, %rem3A_722 : vector<1x32xi32>
      %ne3A_724 = arith.constant 0 : i32
      %ne3A_725 = vector.broadcast %ne3A_724 : i32 to vector<1x32xi32>
      %ne3A_726 = arith.cmpi ne, %rem3A_723, %ne3A_725 : vector<1x32xi32>
      %and3A_727 = arith.andi %ne3A_721, %ne3A_726 : vector<1x32xi1>
      %sub3A_728 = arith.constant 1 : i32
      %sub3A_729 = vector.broadcast %sub3A_728 : i32 to vector<1x32xi32>
      %sub3A_730 = arith.subi %div3A_704, %sub3A_729 : vector<1x32xi32>
      %select_n3A_731 = arith.select %and3A_727, %sub3A_730, %div3A_704 : vector<1x32xi1>, vector<1x32xi32>
      %mul3A_732 = arith.constant 32 : i32
      %mul3A_733 = vector.broadcast %mul3A_732 : i32 to vector<1x32xi32>
      %mul3A_734 = arith.muli %select_n3A_731, %mul3A_733 : vector<1x32xi32>
      %add3A_735 = vector.broadcast %mul3A_701 : i32 to vector<1x32xi32>
      %add3A_736 = arith.addi %add3A_735, %mul3A_734 : vector<1x32xi32>
      %add3A_737 = arith.addi %add3A_736, %select_n3A_699 : vector<1x32xi32>
      %lt3A_738 = arith.constant 30 : i32
      %lt3A_739 = vector.broadcast %lt3A_738 : i32 to vector<1x32xi32>
      %lt3A_740 = arith.cmpi slt, %iota3A_660, %lt3A_739 : vector<1x32xi32>
      %jit3A_741 = arith.constant 0 : i32
      %broadcast_in_dim3A_742 = vector.broadcast %jit3A_741 : i32 to vector<1x32xi32>
      %select_n3A_743 = arith.select %lt3A_740, %add3A_737, %broadcast_in_dim3A_742 : vector<1x32xi1>, vector<1x32xi32>
      %swap3A_744 = arith.constant 0 : index
      %swap3A_745 = arith.constant 0 : index
      %swap3A_746 = arith.constant 0 : index
      %swap3A_747 = vector.load %arg17[%swap3A_744, %swap3A_745, %swap3A_746] : memref<1x1x32xi32, #tpu.memory_space<vmem>>, vector<1x1x32xi32>
      %swap3A_748 = vector.shape_cast %swap3A_747 : vector<1x1x32xi32> to vector<1x32xi32>
      %swap3A_749 = vector.shape_cast %select_n3A_743 : vector<1x32xi32> to vector<1x1x32xi32>
      tpu.vector_store %arg17[%swap3A_744, %swap3A_745, %swap3A_746], %swap3A_749 {strides = array<i32>} : memref<1x1x32xi32, #tpu.memory_space<vmem>>, vector<1x1x32xi32>,
    } else {
    }
    %sub3A_592 = arith.constant 8 : i32
    %sub3A_593 = arith.subi %arg0, %sub3A_592 : i32
    %select_n3A_594 = arith.select %lt3A_0, %arg0, %sub3A_593 : i32
    %iota3A_595 = tpu.iota {dimensions = array<i32: 1>} : vector<1x32xi32>
    %reshape3A_596 = vector.shape_cast %div3A_364 : vector<32xf32> to vector<1x32xf32>
    %get3A_597 = arith.index_cast %select_n3A_594 : i32 to index
    %get3A_598 = arith.constant 0 : index
    %get3A_599 = memref.load %arg19[%get3A_597, %get3A_598] : memref<8x3xi32, #tpu.memory_space<smem>>
    %eq3A_600 = vector.broadcast %get3A_599 : i32 to vector<1x32xi32>
    %eq3A_601 = arith.cmpi eq, %iota3A_595, %eq3A_600 : vector<1x32xi32>
    %jit3A_602 = arith.constant 0.000000e+00 : f32
    %broadcast_in_dim3A_603 = vector.broadcast %jit3A_602 : f32 to vector<1x32xf32>
    %select_n3A_604 = arith.select %eq3A_601, %reshape3A_596, %broadcast_in_dim3A_603 : vector<1x32xi1>, vector<1x32xf32>
    %reduce_sum3A_605 = vector.shape_cast %select_n3A_604 : vector<1x32xf32> to vector<1x1x32xf32>
    %reduce_sum3A_606 = arith.constant dense<0.000000e+00> : vector<1xf32>
    %reduce_sum3A_607 = vector.multi_reduction <add>, %reduce_sum3A_605, %reduce_sum3A_606 [1, 2] : vector<1x1x32xf32> to vector<1xf32>
    %reduce_sum3A_608 = vector.shape_cast %reduce_sum3A_607 : vector<1xf32> to vector<1x1x1xf32>
    %reduce_sum3A_609 = vector.extract %reduce_sum3A_608[0, 0, 0] : f32 from vector<1x1x1xf32>
    %add3A_610 = arith.constant 0.000000e+00 : f32
    %add3A_611 = arith.addf %add3A_610, %reduce_sum3A_609 : f32
    %get3A_612 = arith.index_cast %select_n3A_594 : i32 to index
    %get3A_613 = arith.constant 1 : index
    %get3A_614 = memref.load %arg19[%get3A_612, %get3A_613] : memref<8x3xi32, #tpu.memory_space<smem>>
    %eq3A_615 = vector.broadcast %get3A_614 : i32 to vector<1x32xi32>
    %eq3A_616 = arith.cmpi eq, %iota3A_595, %eq3A_615 : vector<1x32xi32>
    %jit3A_617 = arith.constant 0.000000e+00 : f32
    %broadcast_in_dim3A_618 = vector.broadcast %jit3A_617 : f32 to vector<1x32xf32>
    %select_n3A_619 = arith.select %eq3A_616, %reshape3A_596, %broadcast_in_dim3A_618 : vector<1x32xi1>, vector<1x32xf32>
    %reduce_sum3A_620 = vector.shape_cast %select_n3A_619 : vector<1x32xf32> to vector<1x1x32xf32>
    %reduce_sum3A_621 = arith.constant dense<0.000000e+00> : vector<1xf32>
    %reduce_sum3A_622 = vector.multi_reduction <add>, %reduce_sum3A_620, %reduce_sum3A_621 [1, 2] : vector<1x1x32xf32> to vector<1xf32>
    %reduce_sum3A_623 = vector.shape_cast %reduce_sum3A_622 : vector<1xf32> to vector<1x1x1xf32>
    %reduce_sum3A_624 = vector.extract %reduce_sum3A_623[0, 0, 0] : f32 from vector<1x1x1xf32>
    %add3A_625 = arith.addf %add3A_611, %reduce_sum3A_624 : f32
    %get3A_626 = arith.index_cast %select_n3A_594 : i32 to index
    %get3A_627 = arith.constant 2 : index
    %get3A_628 = memref.load %arg19[%get3A_626, %get3A_627] : memref<8x3xi32, #tpu.memory_space<smem>>
    %eq3A_629 = vector.broadcast %get3A_628 : i32 to vector<1x32xi32>
    %eq3A_630 = arith.cmpi eq, %iota3A_595, %eq3A_629 : vector<1x32xi32>
    %jit3A_631 = arith.constant 0.000000e+00 : f32
    %broadcast_in_dim3A_632 = vector.broadcast %jit3A_631 : f32 to vector<1x32xf32>
    %select_n3A_633 = arith.select %eq3A_630, %reshape3A_596, %broadcast_in_dim3A_632 : vector<1x32xi1>, vector<1x32xf32>
    %reduce_sum3A_634 = vector.shape_cast %select_n3A_633 : vector<1x32xf32> to vector<1x1x32xf32>
    %reduce_sum3A_635 = arith.constant dense<0.000000e+00> : vector<1xf32>
    %reduce_sum3A_636 = vector.multi_reduction <add>, %reduce_sum3A_634, %reduce_sum3A_635 [1, 2] : vector<1x1x32xf32> to vector<1xf32>
    %reduce_sum3A_637 = vector.shape_cast %reduce_sum3A_636 : vector<1xf32> to vector<1x1x1xf32>
    %reduce_sum3A_638 = vector.extract %reduce_sum3A_637[0, 0, 0] : f32 from vector<1x1x1xf32>
    %add3A_639 = arith.addf %add3A_625, %reduce_sum3A_638 : f32
    %div3A_640 = arith.constant 3.000000e+00 : f32
    %div3A_641 = arith.divf %add3A_639, %div3A_640 : f32
    %reshape3A_642 = vector.broadcast %div3A_641 : f32 to vector<1x1xf32>
    %broadcast_in_dim3A_643 = vector.shape_cast %reshape3A_642 : vector<1x1xf32> to vector<1x1x1xf32>
    %broadcast_in_dim3A_644 = vector.broadcast %broadcast_in_dim3A_643 : vector<1x1x1xf32> to vector<1x1x128xf32>
    %swap3A_645 = arith.constant 0 : index
    %swap3A_646 = arith.constant 0 : index
    %swap3A_647 = arith.constant 0 : index
    %swap3A_648 = vector.load %arg15[%swap3A_645, %swap3A_646, %swap3A_647] : memref<1x1x128xf32, #tpu.memory_space<vmem>>, vector<1x1x128xf32>
    tpu.vector_store %arg15[%swap3A_645, %swap3A_646, %swap3A_647], %broadcast_in_dim3A_644 {strides = array<i32>} : memref<1x1x128xf32, #tpu.memory_space<vmem>>, vector<1x1x128xf32>,
    %not3A = arith.constant true
    %not3A_649 = arith.xori %lt3A_0, %not3A : i1
    %convert_element_type3A_650 = arith.extui %not3A_649 : i1 to i32
    %cond3A_651 = arith.constant 0 : i32
    %cond3A_652 = arith.cmpi ne, %convert_element_type3A_650, %cond3A_651 : i32
    scf.if %cond3A_652 {
      %get3A_653 = arith.index_cast %select_n3A_594 : i32 to index
      %get3A_654 = arith.constant 0 : index
      %get3A_655 = memref.load %arg19[%get3A_653, %get3A_654] : memref<8x3xi32, #tpu.memory_space<smem>>
      %get3A_656 = arith.constant 0 : index
      %get3A_657 = arith.index_cast %get3A_655 : i32 to index
      %get3A_658 = arith.constant 0 : index
      %get3A_659 = vector.load %arg18[%get3A_656, %get3A_657, %get3A_658] : memref<10x32x2048xf32, #tpu.memory_space<vmem>>, vector<10x1x2048xf32>
      %reshape3A_660 = vector.shape_cast %get3A_659 : vector<10x1x2048xf32> to vector<10x2048xf32>
      %swap3A_661 = arith.constant 0 : index
      %swap3A_662 = arith.constant 0 : index
      %swap3A_663 = arith.constant 0 : index
      %swap3A_664 = arith.constant 0 : index
      %swap3A_665 = vector.load %arg13[%swap3A_661, %swap3A_662, %swap3A_663, %swap3A_664] : memref<1x3x10x2048xf32, #tpu.memory_space<vmem>>, vector<1x1x10x2048xf32>
      %swap3A_666 = vector.shape_cast %swap3A_665 : vector<1x1x10x2048xf32> to vector<10x2048xf32>
      %swap3A_667 = vector.shape_cast %reshape3A_660 : vector<10x2048xf32> to vector<1x1x10x2048xf32>
      tpu.vector_store %arg13[%swap3A_661, %swap3A_662, %swap3A_663, %swap3A_664], %swap3A_667 {strides = array<i32>} : memref<1x3x10x2048xf32, #tpu.memory_space<vmem>>, vector<1x1x10x2048xf32>,
      %get3A_668 = arith.index_cast %select_n3A_594 : i32 to index
      %get3A_669 = arith.constant 1 : index
      %get3A_670 = memref.load %arg19[%get3A_668, %get3A_669] : memref<8x3xi32, #tpu.memory_space<smem>>
      %get3A_671 = arith.constant 0 : index
      %get3A_672 = arith.index_cast %get3A_670 : i32 to index
      %get3A_673 = arith.constant 0 : index
      %get3A_674 = vector.load %arg18[%get3A_671, %get3A_672, %get3A_673] : memref<10x32x2048xf32, #tpu.memory_space<vmem>>, vector<10x1x2048xf32>
      %reshape3A_675 = vector.shape_cast %get3A_674 : vector<10x1x2048xf32> to vector<10x2048xf32>
      %swap3A_676 = arith.constant 0 : index
      %swap3A_677 = arith.constant 1 : index
      %swap3A_678 = arith.constant 0 : index
      %swap3A_679 = arith.constant 0 : index
      %swap3A_680 = vector.load %arg13[%swap3A_676, %swap3A_677, %swap3A_678, %swap3A_679] : memref<1x3x10x2048xf32, #tpu.memory_space<vmem>>, vector<1x1x10x2048xf32>
      %swap3A_681 = vector.shape_cast %swap3A_680 : vector<1x1x10x2048xf32> to vector<10x2048xf32>
      %swap3A_682 = vector.shape_cast %reshape3A_675 : vector<10x2048xf32> to vector<1x1x10x2048xf32>
      tpu.vector_store %arg13[%swap3A_676, %swap3A_677, %swap3A_678, %swap3A_679], %swap3A_682 {strides = array<i32>} : memref<1x3x10x2048xf32, #tpu.memory_space<vmem>>, vector<1x1x10x2048xf32>,
      %get3A_683 = arith.index_cast %select_n3A_594 : i32 to index
      %get3A_684 = arith.constant 2 : index
      %get3A_685 = memref.load %arg19[%get3A_683, %get3A_684] : memref<8x3xi32, #tpu.memory_space<smem>>
      %get3A_686 = arith.constant 0 : index
      %get3A_687 = arith.index_cast %get3A_685 : i32 to index
      %get3A_688 = arith.constant 0 : index
      %get3A_689 = vector.load %arg18[%get3A_686, %get3A_687, %get3A_688] : memref<10x32x2048xf32, #tpu.memory_space<vmem>>, vector<10x1x2048xf32>
      %reshape3A_690 = vector.shape_cast %get3A_689 : vector<10x1x2048xf32> to vector<10x2048xf32>
      %swap3A_691 = arith.constant 0 : index
      %swap3A_692 = arith.constant 2 : index
      %swap3A_693 = arith.constant 0 : index
      %swap3A_694 = arith.constant 0 : index
      %swap3A_695 = vector.load %arg13[%swap3A_691, %swap3A_692, %swap3A_693, %swap3A_694] : memref<1x3x10x2048xf32, #tpu.memory_space<vmem>>, vector<1x1x10x2048xf32>
      %swap3A_696 = vector.shape_cast %swap3A_695 : vector<1x1x10x2048xf32> to vector<10x2048xf32>
      %swap3A_697 = vector.shape_cast %reshape3A_690 : vector<10x2048xf32> to vector<1x1x10x2048xf32>
      tpu.vector_store %arg13[%swap3A_691, %swap3A_692, %swap3A_693, %swap3A_694], %swap3A_697 {strides = array<i32>} : memref<1x3x10x2048xf32, #tpu.memory_space<vmem>>, vector<1x1x10x2048xf32>,
    } else {
    }
    return
  }
  func.func @transform_0(%arg0: i32) -> (i32, i32, i32, i32) {
    %lt3A = arith.constant 8 : i32
    %lt3A_0 = arith.cmpi slt, %arg0, %lt3A : i32
    %add3A = arith.constant 8 : i32
    %add3A_1 = arith.addi %arg0, %add3A : i32
    %sub3A = arith.constant 8 : i32
    %sub3A_2 = arith.subi %arg0, %sub3A : i32
    %select_n3A = arith.select %lt3A_0, %add3A_1, %sub3A_2 : i32
    %c0_i32 = arith.constant 0 : i32
    %c0_i32_3 = arith.constant 0 : i32
    %c0_i32_4 = arith.constant 0 : i32
    %c0_i32_5 = arith.constant 0 : i32
    return %select_n3A, %c0_i32, %c0_i32_3, %c0_i32_4 : i32, i32, i32, i32
  }
  func.func @transform_1(%arg0: i32) -> (i32, i32) {
    %c0_i32 = arith.constant 0 : i32
    %c0_i32_0 = arith.constant 0 : i32
    %c0_i32_1 = arith.constant 0 : i32
    return %c0_i32, %c0_i32_0 : i32, i32
  }
  func.func @transform_2(%arg0: i32) -> (i32, i32) {
    %c0_i32 = arith.constant 0 : i32
    %c0_i32_0 = arith.constant 0 : i32
    %c0_i32_1 = arith.constant 0 : i32
    return %c0_i32, %c0_i32_0 : i32, i32
  }
  func.func @transform_3(%arg0: i32) -> (i32, i32) {
    %c0_i32 = arith.constant 0 : i32
    %c0_i32_0 = arith.constant 0 : i32
    %c0_i32_1 = arith.constant 0 : i32
    return %c0_i32, %c0_i32_0 : i32, i32
  }
  func.func @transform_4(%arg0: i32) -> (i32, i32) {
    %c0_i32 = arith.constant 0 : i32
    %c0_i32_0 = arith.constant 0 : i32
    %c0_i32_1 = arith.constant 0 : i32
    return %c0_i32, %c0_i32_0 : i32, i32
  }
  func.func @transform_5(%arg0: i32) -> (i32, i32) {
    %c0_i32 = arith.constant 0 : i32
    %c0_i32_0 = arith.constant 0 : i32
    %c0_i32_1 = arith.constant 0 : i32
    return %c0_i32, %c0_i32_0 : i32, i32
  }
  func.func @transform_6(%arg0: i32) -> (i32, i32) {
    %c0_i32 = arith.constant 0 : i32
    %c0_i32_0 = arith.constant 0 : i32
    %c0_i32_1 = arith.constant 0 : i32
    return %c0_i32, %c0_i32_0 : i32, i32
  }
  func.func @transform_7(%arg0: i32) -> (i32, i32) {
    %c0_i32 = arith.constant 0 : i32
    %c0_i32_0 = arith.constant 0 : i32
    %c0_i32_1 = arith.constant 0 : i32
    return %c0_i32, %c0_i32_0 : i32, i32
  }
  func.func @transform_8(%arg0: i32) -> (i32, i32) {
    %c0_i32 = arith.constant 0 : i32
    %c0_i32_0 = arith.constant 0 : i32
    %c0_i32_1 = arith.constant 0 : i32
    return %c0_i32, %c0_i32_0 : i32, i32
  }
  func.func @transform_9(%arg0: i32) -> (i32, i32) {
    %c0_i32 = arith.constant 0 : i32
    %c0_i32_0 = arith.constant 0 : i32
    %c0_i32_1 = arith.constant 0 : i32
    return %c0_i32, %c0_i32_0 : i32, i32
  }
  func.func @transform_10(%arg0: i32) -> (i32, i32) {
    %c0_i32 = arith.constant 0 : i32
    %c0_i32_0 = arith.constant 0 : i32
    %c0_i32_1 = arith.constant 0 : i32
    return %c0_i32, %c0_i32_0 : i32, i32
  }
  func.func @transform_11(%arg0: i32) -> (i32, i32, i32, i32) {
    %lt3A = arith.constant 8 : i32
    %lt3A_0 = arith.cmpi slt, %arg0, %lt3A : i32
    %add3A = arith.constant 8 : i32
    %add3A_1 = arith.addi %arg0, %add3A : i32
    %sub3A = arith.constant 8 : i32
    %sub3A_2 = arith.subi %arg0, %sub3A : i32
    %select_n3A = arith.select %lt3A_0, %add3A_1, %sub3A_2 : i32
    %c0_i32 = arith.constant 0 : i32
    %c0_i32_3 = arith.constant 0 : i32
    %c0_i32_4 = arith.constant 0 : i32
    %c0_i32_5 = arith.constant 0 : i32
    return %select_n3A, %c0_i32, %c0_i32_3, %c0_i32_4 : i32, i32, i32, i32
  }
  func.func @transform_12(%arg0: i32) -> (i32, i32, i32, i32) {
    %lt3A = arith.constant 8 : i32
    %lt3A_0 = arith.cmpi slt, %arg0, %lt3A : i32
    %sub3A = arith.constant 8 : i32
    %sub3A_1 = arith.subi %arg0, %sub3A : i32
    %jit3A = arith.constant 0 : i32
    %select_n3A = arith.select %lt3A_0, %jit3A, %sub3A_1 : i32
    %c0_i32 = arith.constant 0 : i32
    %c0_i32_2 = arith.constant 0 : i32
    %c0_i32_3 = arith.constant 0 : i32
    %c0_i32_4 = arith.constant 0 : i32
    return %select_n3A, %c0_i32, %c0_i32_2, %c0_i32_3 : i32, i32, i32, i32
  }
  func.func @transform_13(%arg0: i32) -> (i32, i32, i32) {
    %lt3A = arith.constant 8 : i32
    %lt3A_0 = arith.cmpi slt, %arg0, %lt3A : i32
    %add3A = arith.constant 8 : i32
    %add3A_1 = arith.addi %arg0, %add3A : i32
    %sub3A = arith.constant 8 : i32
    %sub3A_2 = arith.subi %arg0, %sub3A : i32
    %select_n3A = arith.select %lt3A_0, %add3A_1, %sub3A_2 : i32
    %c0_i32 = arith.constant 0 : i32
    %c0_i32_3 = arith.constant 0 : i32
    %c0_i32_4 = arith.constant 0 : i32
    return %select_n3A, %c0_i32, %c0_i32_3 : i32, i32, i32
  }
  func.func @transform_14(%arg0: i32) -> (i32, i32, i32) {
    %lt3A = arith.constant 8 : i32
    %lt3A_0 = arith.cmpi slt, %arg0, %lt3A : i32
    %add3A = arith.constant 8 : i32
    %add3A_1 = arith.addi %arg0, %add3A : i32
    %sub3A = arith.constant 8 : i32
    %sub3A_2 = arith.subi %arg0, %sub3A : i32
    %select_n3A = arith.select %lt3A_0, %add3A_1, %sub3A_2 : i32
    %c0_i32 = arith.constant 0 : i32
    %c0_i32_3 = arith.constant 0 : i32
    %c0_i32_4 = arith.constant 0 : i32
    return %select_n3A, %c0_i32, %c0_i32_3 : i32, i32, i32
  }
  func.func @transform_15(%arg0: i32) -> (i32, i32, i32, i32) {
    %lt3A = arith.constant 8 : i32
    %lt3A_0 = arith.cmpi slt, %arg0, %lt3A : i32
    %jit3A = arith.constant 7 : i32
    %select_n3A = arith.select %lt3A_0, %arg0, %jit3A : i32
    %c0_i32 = arith.constant 0 : i32
    %c0_i32_1 = arith.constant 0 : i32
    %c0_i32_2 = arith.constant 0 : i32
    %c0_i32_3 = arith.constant 0 : i32
    return %select_n3A, %c0_i32, %c0_i32_1, %c0_i32_2 : i32, i32, i32, i32
  }
  func.func @transform_16(%arg0: i32) -> (i32, i32, i32) {
    %lt3A = arith.constant 8 : i32
    %lt3A_0 = arith.cmpi slt, %arg0, %lt3A : i32
    %jit3A = arith.constant 7 : i32
    %select_n3A = arith.select %lt3A_0, %arg0, %jit3A : i32
    %c0_i32 = arith.constant 0 : i32
    %c0_i32_1 = arith.constant 0 : i32
    %c0_i32_2 = arith.constant 0 : i32
    return %select_n3A, %c0_i32, %c0_i32_1 : i32, i32, i32
  }
}

</mosaic_0001>

<sc_bundles>
// kernel: kernel.4.cloned.1.call-start
scs
__scs_entry_jumppad:
0x0: {  	(pc) =	sbr.rel $0x88, $3  }
0x1: {  	(tag) =	ssettag $0x0;
	lr =	simm.s32 $0x1  }
0x2: {  	[smem:$0x3F96] =	sst lr;
	_ =	strace $0xD0000000  }
0x3: {  	_ = 	snop  }
0x4: {  	_ = 	snop  }
0x5: {  	_ = 	snop  }
0x6: {  	_ = 	snop  }
0x7: {  	_ = 	snop  }
__scs_overlays_trampoline_lowered:
0x8: {  	[smem:$0x3FA5] =	sst s0  }
0x9: {  	[smem:$0x3FA6] =	sst s1  }
0xa: {  	[smem:$0x3FA7] =	sst s2  }
0xb: {  	[smem:$0x3FA8] =	sst s3  }
0xc: {  	[smem:$0x3FA9] =	sst s4  }
0xd: {  	[smem:$0x3FAA] =	sst s5  }
0xe: {  	[smem:$0x3FAB] =	sst s6  }
0xf: {  	[smem:$0x3FAC] =	sst s7  }
0x10: {  	[smem:$0x3FAD] =	sst s8  }
0x11: {  	[smem:$0x3FAE] =	sst s9;
	s0 =	simm.s32 @!p0 $0x0  }
0x12: {  	s1 =	sld [smem:$0x3F94];
	s0 =	simm.s32 @p0 $0x1  }
0x13: {  	[smem:$0x3FAF] =	sst s0;
	s0 =	simm.s32 @!p1 $0x0  }
0x14: {  	s2 =	sld [smem:$0x3F93];
	s0 =	simm.s32 @p1 $0x1  }
0x15: {  	[smem:$0x3FB0] =	sst s0;
	s0 =	simm.s32 @!p2 $0x0  }
0x16: {  	s3 =	sld [smem:$0x3FDB];
	s0 =	simm.s32 @p2 $0x1  }
0x17: {  	s4 =	simm.s32 $0x1BF5;
	[smem:$0x3FB2] =	sst s0  }
0x18: {  	s0 =	sld [smem:$0x3F95];
	_ =	swait.ge [sflag:s4], $0x0  }
0x19: {  	s7 =	sld [smem:$0x3F96]  }
0x1a: {  	s8 =	sadd.s32 $0xFFFFE003, lr  }
0x1b: {  	s9 =	sadd.s32 $0xFFFFFEF7, lr;
	s5 =	simm.s32 $0xFFFFFFFF;
	p2 =	slt.u32 s8, $0xFFFFF086  }
0x1c: {  	p1 =	slt.u32 s9, $0xF7A;
	s5 =	simm.s32 @!p2 $0x0  }
0x1d: {  	s5 =	simm.s32 @p1 $0x1;
	p0 =	seq.s32 s7, s2  }
0x1e: {  	s7 =	smul.u32 @!p0 $0xF7A, s2;
	p2 =	seq.s32 @!p0 s5, $0x0  }
0x1f: {  	s9 =	smul.u32 $0xF7A, s1;
	s8 =	simm.s32 @!p0 $0x1BF5;
	p2 =	por !p2, p0  }
0x20: {  	[sflag:s8] =	ssyncset.s32 @!p0 $0xFFFFF086;
	s6 =	sadd.s32 @!p0 s3, s7;
	s7 =	simm.s32 @!p0 $0x108  }
0x21: {  	s3 =	sadd.s32 s3, s9;
	s6 =	sadd.s32 @!p0 $0x88, s6;
	s7 =	simm.s32 @p2 $0x1082  }
0x22: {  	[simem:s7], [sflag:s8] =	dma.local @!p0 [hbm:s6], $0xF7A  }
0x23: {  	s9 =	sor.u32 $0xD0000000, s2;
	s6 =	simm.s32 $0x108;
	_ =	swait.ge @!p0 [sflag:s8], $0x0  }
0x24: {  	s3 =	sadd.s32 $0x88, s3;
	s6 =	simm.s32 @!p1 $0x1082;
	[sflag:s4] =	ssyncset.s32 $0xFFFFF086  }
0x25: {  	[simem:s6], [sflag:s4] =	dma.local [hbm:s3], $0xF7A  }
0x26: {  	[smem:$0x3F96] =	sst s1;
	(tag) =	ssettag s2;
	_ =	strace s9  }
0x27: {  	s1 =	sld [smem:$0x3FA6]  }
0x28: {  	s2 =	sld [smem:$0x3FA7]  }
0x29: {  	s4 =	sld [smem:$0x3FA9]  }
0x2a: {  	p0 =	seq.s32 s5, $0x0;
	s5 =	sld [smem:$0x3FAA]  }
0x2b: {  	s6 =	sld [smem:$0x3FAB]  }
0x2c: {  	s7 =	sld [smem:$0x3FAC]  }
0x2d: {  	s3 =	simm.s32 $0x108;
	s8 =	sld [smem:$0x3FAD]  }
0x2e: {  	s3 =	simm.s32 @!p0 $0x1082;
	s9 =	sld [smem:$0x3FAE]  }
0x2f: {  	lr =	sadd.s32 s0, s3;
	s0 =	sld [smem:$0x3FA5]  }
0x30: {  	s3 =	sld [smem:$0x3FA8]  }
0x31: {  	[smem:$0x3FB1] =	sst s10  }
0x32: {  	s10 =	sld [smem:$0x3FAF];
	_ =	sdelay $0x3  }
0x33: {  	p0 =	seq.s32 s10, $0x1;
	s10 =	sld [smem:$0x3FB1];
	_ =	sdelay $0x3  }
0x34: {  	[smem:$0x3FB1] =	sst s10  }
0x35: {  	s10 =	sld [smem:$0x3FB0];
	_ =	sdelay $0x3  }
0x36: {  	p1 =	seq.s32 s10, $0x1;
	s10 =	sld [smem:$0x3FB1];
	_ =	sdelay $0x3  }
0x37: {  	[smem:$0x3FB1] =	sst s10  }
0x38: {  	s10 =	sld [smem:$0x3FB2]  }
0x39: {  	_ = 	snop;
	(pc) =	sbr.ind lr, $3  }
0x3a: {  	_ = 	snop  }
0x3b: {  	_ = 	snop  }
0x3c: {  	p2 =	seq.s32 s10, $0x1;
	s10 =	sld [smem:$0x3FB1]  }
0x3d: {  	_ =	shalt  }
0x3e: {  	_ =	shalt  }
0x3f: {  	_ =	shalt  }
0x40: {  	_ =	shalt  }
0x41: {  	_ =	shalt  }
0x42: {  	_ =	shalt  }
0x43: {  	_ =	shalt  }
0x44: {  	_ =	shalt  }
0x45: {  	_ =	shalt  }
0x46: {  	_ =	shalt  }
0x47: {  	_ =	shalt  }
0x48: {  	_ =	shalt  }
0x49: {  	_ =	shalt  }
0x4a: {  	_ =	shalt  }
0x4b: {  	_ =	shalt  }
0x4c: {  	_ =	shalt  }
0x4d: {  	_ =	shalt  }
0x4e: {  	_ =	shalt  }
0x4f: {  	_ =	shalt  }
0x50: {  	_ =	shalt  }
0x51: {  	_ =	shalt  }
0x52: {  	_ =	shalt  }
0x53: {  	_ =	shalt  }
0x54: {  	_ =	shalt  }
0x55: {  	_ =	shalt  }
0x56: {  	_ =	shalt  }
0x57: {  	_ =	shalt  }
0x58: {  	_ =	shalt  }
0x59: {  	_ =	shalt  }
0x5a: {  	_ =	shalt  }
0x5b: {  	_ =	shalt  }
0x5c: {  	_ =	shalt  }
0x5d: {  	_ =	shalt  }
0x5e: {  	_ =	shalt  }
0x5f: {  	_ =	shalt  }
0x60: {  	_ =	shalt  }
0x61: {  	_ =	shalt  }
0x62: {  	_ =	shalt  }
0x63: {  	_ =	shalt  }
0x64: {  	_ =	shalt  }
0x65: {  	_ =	shalt  }
0x66: {  	_ =	shalt  }
0x67: {  	_ =	shalt  }
0x68: {  	_ =	shalt  }
0x69: {  	_ =	shalt  }
0x6a: {  	_ =	shalt  }
0x6b: {  	_ =	shalt  }
0x6c: {  	_ =	shalt  }
0x6d: {  	_ =	shalt  }
0x6e: {  	_ =	shalt  }
0x6f: {  	_ =	shalt  }
0x70: {  	_ =	shalt  }
0x71: {  	_ =	shalt  }
0x72: {  	_ =	shalt  }
0x73: {  	_ =	shalt  }
0x74: {  	_ =	shalt  }
0x75: {  	_ =	shalt  }
0x76: {  	_ =	shalt  }
0x77: {  	_ =	shalt  }
0x78: {  	_ =	shalt  }
0x79: {  	_ =	shalt  }
0x7a: {  	_ =	shalt  }
0x7b: {  	_ =	shalt  }
0x7c: {  	_ =	shalt  }
0x7d: {  	_ =	shalt  }
0x7e: {  	_ =	shalt  }
0x7f: {  	_ =	shalt  }
0x80: {  	_ =	shalt  }
0x81: {  	_ =	shalt  }
0x82: {  	_ =	shalt  }
0x83: {  	_ =	shalt  }
0x84: {  	_ =	shalt  }
0x85: {  	_ =	shalt  }
0x86: {  	_ =	shalt  }
0x87: {  	_ =	shalt  }
.Lfunc_end0:
.L_simem_size_0:
called_computation_lowered:
.L_overlay_start_0:
0x88: {  	s2 =	sld [smem:$0x3FD9]  }
0x89: {  	s3 =	sld [smem:$0x3FFE];
	_ =	sdelay $0x1  }
0x8a: {  	s1 =	srdreg.scid  }
0x8b: {  	s0 =	sand.u32 $0x1, s1  }
0x8c: {  	s14 =	sshll.u32 s0, $0xA;
	s2 =	sadd.s32 s3, s2  }
0x8d: {  	s2 =	sadd.s32 s2, s14  }
0x8e: {  	[smem:$0x3FBD] =	sst s2  }
0x8f: {  	_ = 	snop  }
0x90: {  	s2 =	sld [smem:$0x3FD0];
	_ =	sdelay $0x2  }
0x91: {  	s15 =	simm.s32 $0xA;
	s4 =	simm.s32 $0x10  }
0x92: {  	[smem:s4], [sflag:s15] =	dma.local [hbm:s2], $0x1  }
0x93: {  	_ =	swait.eq [sflag:s15], $0x1  }
0x94: {  	[sflag:s15] =	ssyncset.done $0x0  }
0x95: {  	s16 =	sld [smem:$0x14];
	[sflag:s15] =	ssyncadd.s32 $0xFFFFFFFF  }
0x96: {  	s17 =	sld [smem:$0x15];
	(tm) =	ssettm $0x1  }
0x97: {  	s18 =	sld [smem:$0x3FFB];
	_ =	sdelay $0x3  }
0x98: {  	_ =	strace s18  }
0x99: {  	s4 =	sld [smem:$0x3FFC];
	_ =	sdelay $0x3  }
0x9a: {  	_ =	strace s4  }
0x9b: {  	s4 =	sld [smem:$0x3FFD];
	_ =	sdelay $0x3  }
0x9c: {  	_ =	strace s4  }
0x9d: {  	_ =	strace $0x8FFFFFFF  }
0x9e: {  	s19 =	sld [smem:$0x3FDB];
	_ =	sdelay $0x1  }
0x9f: {  	s5 =	simm.s32 $_scs_section_size  }
0xa0: {  	s6 =	simm.s32 $_size__tile_overlayer_lowered;
	s7 =	simm.s32 $_tile_overlayer_lowered  }
0xa1: {  	s22 =	simm.s32 $0x1BFF;
	s21 =	sshll.u32 s7, $0x1;
	s4 =	sadd.s32 s5, s19  }
0xa2: {  	s8 =	simm.s32 $0x0;
	s20 =	sshll.u32 s6, $0x1;
	s6 =	sadd.s32 s21, s4  }
0xa3: {  	[timem:s8], [sflag:s22] =	dma.local [hbm:s6], s20  }
0xa4: {  	_ =	swait.ge [sflag:s22], s20  }
0xa5: {  	s5 =	ssub.s32 $0x0, s20;
	[sflag:s22] =	ssyncset.done $0x0  }
0xa6: {  	[sflag:s22] =	ssyncadd.s32 s5;
	_ =	sdelay $0x1  }
0xa7: {  	s23 =	simm.s32 $0x1B8B  }
0xa8: {  	_ =	swait.ge [sflag:s23], $0x1  }
0xa9: {  	[sflag:s23] =	ssyncset.done $0x0  }
0xaa: {  	s25 =	simm.s32 $0x1B8E;
	s24 =	sld [smem:$0x3FFE];
	[sflag:s23] =	ssyncadd.s32 $0xFFFFFFFF  }
0xab: {  	s26 =	simm.s32 $execute0_lowered;
	[smem:$0x3FD2] =	sst s25  }
0xac: {  	s6 =	sshll.u32 s26, $0x1;
	_ =	strace $0x80000046;
	[dreg:$0x1] =	wrdreg $0xFFFFFFFF  }
0xad: {  	s28 =	simm.s32 $_size_execute0_lowered;
	s4 =	sadd.s32 s4, s6;
	[dreg:$0x0] =	wrdreg $0x0  }
0xae: {  	s6 =	sshll.u32 s28, $0x1;
	[dreg:$0x2] =	wrdreg s4  }
0xaf: {  	[dreg:$0x3] =	wrdreg s6  }
0xb0: {  	[dreg:$0x4] =	wrdreg $0xC0  }
0xb1: {  	_ =	task [dreg:s8], $0x5FFFF  }
0xb2: {  	[dreg:$0x1] =	wrdreg $0xFFFFFFFF  }
0xb3: {  	[dreg:$0x0] =	wrdreg $0x60  }
0xb4: {  	[dreg:$0x2] =	wrdreg s24  }
0xb5: {  	[dreg:$0x3] =	wrdreg s17  }
0xb6: {  	[dreg:$0x4] =	wrdreg s16  }
0xb7: {  	[dreg:$0x5] =	wrdreg $0x9  }
0xb8: {  	_ =	task.clear_ibuf [dreg:s8], $0x6FFFF;
	_ =	strace $0x90000046  }
0xb9: {  	s29 =	simm.s32 $0x9;
	_ =	strace $0x8000004F  }
0xba: {  	_ =	swait.ge [sflag:s29], $0x1  }
0xbb: {  	[sflag:s29] =	ssyncadd.s32 $0xFFFFFFFF  }
0xbc: {  	_ =	strace $0x9000004F  }
0xbd: {  	_ =	sfence  }
0xbe: {  	s30 =	sld [smem:$0x0];
	_ =	sdelay $0x2  }
0xbf: {  	s31 =	sshll.u32 s1, $0xD;
	s1 =	sshrl.u32 s1, $0x2  }
0xc0: {  	s3 =	sand.u32 $0x4000, s31;
	s1 =	sadd.s32 s1, s30  }
0xc1: {  	s0 =	sor.u32 s3, s0;
	s1 =	sshll.u32 s1, $0x11  }
0xc2: {  	s0 =	sor.u32 s1, s0  }
0xc3: {  	s0 =	sadd.s32 $0x8F2B, s0  }
0xc4: {  	[sflag:s0] =	ssyncadd.remote.s32 $0x1  }
0xc5: {  	_ =	sfence.sel $0xFFFF  }
0xc6: {  	[dreg:$0x0] =	wrdreg $0xFFFFFFFF;
	(pc) =	sbr.abs _section_cstart, $3  }
0xc7: {  	[dreg:$0x1] =	wrdreg $0xFFFFFFFF  }
0xc8: {  	_ =	task.clear_ibuf [dreg:s8], $0x2FFFF;
	_ =	strace $0x9FFFFFFF  }
0xc9: {  	(tm) =	ssettm $0x7FFFFFFF  }
tec
execute0_lowered:
.L_overlay_start_1:
0x0: {  	(tag) =	ssettag $0x1  }
0x1: {  	s0 =	srdreg.scid  }
0x2: {  	s10 =	sand.u32 $0x1, s0  }
0x3: {  	s1 =	stileid.u32;
	s4 =	sshll.u32 s10, $0x4  }
0x4: {  	s4 =	sor.u32 s1, s4  }
0x5: {  	p0 =	sgt.u32 s4, $0x1D  }
.Ltmp0:
0x6: {  	s5 =	rddreg [dreg:$0x0];
	(pc) =	sbr.rel @p0 .LBB2_4-.Ltmp0, $4  }
0x7: {  	s3 =	rddreg [dreg:$0x1]  }
0x8: {  	s9 =	rddreg [dreg:$0x2];
	s2 =	simm.s32 $0x0  }
0x9: {  	[smem:$0x7FF] =	sst s2  }
0xa: {  	s0 =	rddreg [dreg:$0x3];
	_ =	strace $0x80000047  }
0xb: {  	s11 =	smin.u32 s4, $0x1E  }
0xc: {  	s4 =	sshll.u32 s11, $0x4  }
0xd: {  	_ =	strace $0x80000048;
	s3 =	sadd.s32 s3, s4  }
0xe: {  	[tilespmem:s2], [sflag:$0x1] =	stream.linear.gather [hbm4b:s3+s2], $0x80, $0x200038;
	[tilespmem:$0x8100] =	vst v63  }
0xf: {  	_ =	strace $0x90000048  }
0x10: {  	s4 =	simm.s32 $0x1;
	_ =	strace $0x8000004A  }
0x11: {  	_ =	swait.ge [sflag:s4], $0x80  }
0x12: {  	[sflag:s4] =	ssyncset.done $0x0  }
0x13: {  	[sflag:s4] =	ssyncadd.s32 $0xFFFFFF80  }
0x14: {  	s5 =	sadd.s32 $0xA1200, s5;
	s6 =	simm.s32 $0x80;
	_ =	strace $0x9000004A  }
0x15: {  	s7 =	simm.s32 $0x100;
	s8 =	simm.s32 $0x5;
	_ =	strace $0x8000004B  }
0x16: {  	[tilespmem:s7], [sflag:$0x5] =	stream.indirect.gather [hbm4b:s5+s6], $0x80, s2, s6, $0x2000b8;
	[tilespmem:$0x8100] =	vst v63  }
0x17: {  	s10 =	ssub.s32 $0x2, s10;
	_ =	swait.ge [sflag:s8], $0x4000  }
0x18: {  	s11 =	sshll.u32 s11, $0xB;
	s31 =	sshrl.u32 s10, $0x1;
	[sflag:s8] =	ssyncset.done $0x0  }
0x19: {  	s9 =	sadd.s32 s9, s11;
	s11 =	ssub.s32 s10, s31;
	[sflag:s8] =	ssyncadd.s32 $0xFFFFC000  }
0x1a: {  	s11 =	smax.u32 s11, $0x1;
	_ =	strace $0x9000004B  }
0x1b: {  	p0 =	sne.s32 s11, $0x1;
	_ =	strace $0x8000004C  }
0x1c: {  	[hbm4b:s9+s2] =	stream.linear.scatter [tilespmem:s7], [sflag:$0x3], $0x4000, $0x200038;
	[tilespmem:$0x8100] =	vst v63  }
.Ltmp1:
0x1d: {  	_ =	strace $0x9000004C;
	(pc) =	sbr.rel @!p0 .LBB2_3-.Ltmp1, $4  }
0x1e: {  	s10 =	simm.s32 $0x3;
	_ =	strace $0x8000004E  }
0x1f: {  	_ =	swait.ge [sflag:s10], $0x4000  }
0x20: {  	[sflag:s10] =	ssyncset.done $0x0  }
0x21: {  	s11 =	sadd.s32 $0xFFFFFFFF, s11;
	[sflag:s10] =	ssyncadd.s32 $0xFFFFC000  }
.LBB2_2:
0x22: {  	p0 =	sne.s32 s11, $0x1;
	s11 =	sadd.s32 $0xFFFFFFFF, s11;
	_ =	strace $0x9000004E  }
0x23: {  	_ =	strace $0x80000048  }
0x24: {  	[tilespmem:s2], [sflag:$0x1] =	stream.linear.gather [hbm4b:s3+s2], $0x80, $0x200038;
	[tilespmem:$0x8100] =	vst v63  }
0x25: {  	_ =	strace $0x90000048  }
0x26: {  	_ =	strace $0x8000004A  }
0x27: {  	_ =	swait.ge [sflag:s4], $0x80  }
0x28: {  	[sflag:s4] =	ssyncset.done $0x0  }
0x29: {  	[sflag:s4] =	ssyncadd.s32 $0xFFFFFF80  }
0x2a: {  	_ =	strace $0x9000004A  }
0x2b: {  	_ =	strace $0x8000004B  }
0x2c: {  	[tilespmem:s7], [sflag:$0x5] =	stream.indirect.gather [hbm4b:s5+s6], $0x80, s2, s6, $0x2000b8;
	[tilespmem:$0x8100] =	vst v63  }
0x2d: {  	_ =	swait.ge [sflag:s8], $0x4000  }
0x2e: {  	[sflag:s8] =	ssyncset.done $0x0  }
0x2f: {  	[sflag:s8] =	ssyncadd.s32 $0xFFFFC000  }
0x30: {  	_ =	strace $0x9000004B  }
0x31: {  	_ =	strace $0x8000004C  }
0x32: {  	[hbm4b:s9+s2] =	stream.linear.scatter [tilespmem:s7], [sflag:$0x3], $0x4000, $0x200038;
	[tilespmem:$0x8100] =	vst v63  }
.Ltmp2:
0x33: {  	_ =	strace $0x9000004C;
	(pc) =	sbr.rel @p0 .LBB2_2-.Ltmp2, $4  }
0x34: {  	_ =	strace $0x8000004E  }
0x35: {  	_ =	swait.ge [sflag:s10], $0x4000  }
0x36: {  	[sflag:s10] =	ssyncset.done $0x0  }
0x37: {  	[sflag:s10] =	ssyncadd.s32 $0xFFFFC000  }
.LBB2_3:
0x38: {  	_ =	strace $0x9000004E  }
.LBB2_4:
0x39: {  	_ =	sfence.sel $0x180000  }
0x3a: {  	[bflag:$0x0] =	sbarrier.arrive $0xFFFF  }
0x3b: {  	p0 =	sne.s32 s1, $0x0;
	_ =	strace $0x90000047  }
0x3c: {  	s0 =	sadd.s32 @!p0 $0x100000, s0;
	[bflag:$0x2] =	sbarrier.arrive $0xFFFF  }
0x3d: {  	[sflag:s0] =	ssyncadd.tile.s32 @!p0 $0x1;
	_ =	shalt  }
.Lfunc_end2:
_tile_overlayer_lowered:
.L_overlay_start_2:
0x3e: {  	(tag) =	ssettag $0x2  }
0x3f: {  	s0 =	rddreg [dreg:$0x0];
	s2 =	stileid.u32  }
0x40: {  	s1 =	rddreg [dreg:$0x1];
	p0 =	sne.s32 s2, $0x0  }
0x41: {  	s3 =	rddreg [dreg:$0x2];
	[bflag:$0x3] =	sbarrier.arrive $0xFFFF;
	s2 =	simm.s32 @!p0 $0x1C01  }
0x42: {  	[timem:s3], [sflag:s2] =	dma.local @!p0 [hbm:s0], s1  }
0x43: {  	s0 =	simm.s32 @!p0 $0x1  }
0x44: {  	_ =	swait.ge @!p0 [sflag:s0], s1  }
0x45: {  	s1 =	ssub.s32 @!p0 $0x0, s1;
	[sflag:s0] =	ssyncset.done @!p0 $0x0  }
0x46: {  	[sflag:s0] =	ssyncadd.s32 @!p0 s1  }
0x47: {  	[bflag:$0x3] =	sbarrier.arrive $0xFFFF  }
0x48: {  	_ =	shalt  }

</sc_bundles>
